<compile_context>
chip_gen: v7x
topology: tpu7x:2x2x1
jax: 0.10.2.dev20260603
libtpu: 0.0.44.dev20260713+nightly
codegen_flags: <defaults>
</compile_context>

<pallas_src>
import functools

import jax
import jax.numpy as jnp
from jax import lax
from jax.experimental import pallas as pl
from jax.experimental.pallas import tpu as pltpu
from jax.experimental.pallas import tpu_sc as plsc

_USER_NUM = 500000
_LANES = 16


def _make_sc_kernel(B, D, nw):
    b_per_w = B // nw
    n_chunks = b_per_w // 128
    n_groups = b_per_w // _LANES

    mesh = plsc.VectorSubcoreMesh(core_axis_name="c", subcore_axis_name="s")

    @functools.partial(
        pl.kernel,
        mesh=mesh,
        compiler_params=pltpu.CompilerParams(
            needs_layout_passes=False, use_tc_tiling_on_sc=False),
        out_type=jax.ShapeDtypeStruct((B,), jnp.float32),
        scratch_types=[
            pltpu.VMEM((n_chunks, 128), jnp.int32),
            pltpu.VMEM((n_chunks, 128), jnp.int32),
            pltpu.VMEM((b_per_w, D), jnp.float32),
            pltpu.VMEM((b_per_w, D), jnp.float32),
            pltpu.VMEM((b_per_w,), jnp.float32),
            pltpu.SemaphoreType.DMA,
        ],
    )
    def sc_kernel(emb_hbm, u_hbm, v_hbm, out_hbm, idx_u, idx_v, rows_u,
                  rows_v, out_v, sem):
        wid = lax.axis_index("s") * 2 + lax.axis_index("c")
        row0 = wid * n_chunks

        pltpu.sync_copy(u_hbm.at[pl.ds(row0, n_chunks)], idx_u)
        pltpu.sync_copy(v_hbm.at[pl.ds(row0, n_chunks)], idx_v)

        descs = []
        for j in range(n_chunks):
            dst = pl.ds(j * 128, 128)
            descs.append(pltpu.async_copy(emb_hbm.at[idx_u.at[j]],
                                          rows_u.at[dst], sem))
            descs.append(pltpu.async_copy(emb_hbm.at[idx_v.at[j]],
                                          rows_v.at[dst], sem))
        for d in descs:
            d.wait()

        iota = lax.iota(jnp.int32, _LANES)

        def group(g, carry):
            row = g * _LANES + iota
            acc = jnp.zeros((_LANES,), jnp.float32)
            for d in range(D):
                col = jnp.full((_LANES,), d, jnp.int32)
                gu = plsc.load_gather(rows_u, [row, col])
                gv = plsc.load_gather(rows_v, [row, col])
                acc = acc + gu * gv
            out_v[pl.ds(g * _LANES, _LANES)] = acc
            return carry

        lax.fori_loop(0, n_groups, group, 0)

        pltpu.sync_copy(out_v, out_hbm.at[pl.ds(wid * b_per_w, b_per_w)])

    return sc_kernel


def kernel(u, v, embedding):
    B = u.shape[0]
    D = embedding.shape[1]
    info = plsc.get_sparse_core_info()
    nw = info.num_cores * info.num_subcores

    u2 = u.astype(jnp.int32).reshape(B // 128, 128)
    v2 = (v.astype(jnp.int32) + _USER_NUM).reshape(B // 128, 128)

    sc = _make_sc_kernel(B, D, nw)
    return sc(embedding, u2, v2)

# --- scband reference (transcript-rebuilt; emitter-appended) ---
"""Pipeline reference for scband-mfmodel-40913858461781 (READ-ONLY COPY).

The authoritative reference and input builder live on the scoring server;
editing this copy changes nothing except your own understanding.
"""

import jax, jax.numpy as jnp
import numpy as np

USER_NUM = 500000
ITEM_NUM = 500000
NODES_NUM = USER_NUM + ITEM_NUM
EMB_DIM = 32
BATCH = 16384

def setup_inputs(seed: int = 0) -> dict:
    key = jax.random.key(seed)
    k1, k2, k3 = jax.random.split(key, 3)
    u = jax.random.randint(k1, (BATCH,), 0, USER_NUM, dtype=jnp.int64 if jax.config.jax_enable_x64 else jnp.int32)
    v = jax.random.randint(k2, (BATCH,), 0, ITEM_NUM, dtype=jnp.int64 if jax.config.jax_enable_x64 else jnp.int32)
    embedding = jax.random.normal(k3, (NODES_NUM, EMB_DIM), dtype=jnp.float32)
    return {"u": u, "v": v, "embedding": embedding}

def reference(u, v, embedding):
    # task == 'Rate': item indices offset by user_num
    v_off = v + USER_NUM
    ue = jnp.take(embedding, u, axis=0)
    ve = jnp.take(embedding, v_off, axis=0)
    pred = jnp.sum(ue * ve, axis=1)
    return pred

if __name__ == "__main__":
    import jax
    _d = setup_inputs()
    print(jax.jit(kernel)(*tuple(_d.values())))

</pallas_src>

<mosaic_0001>
#map = affine_map<(d0, d1) -> (0, 0)>
#map1 = affine_map<(d0, d1) -> (0)>
module attributes {stable_mosaic.version = 14 : i64} {
  func.func @sc_kernel(%arg0: i32, %arg1: i32, %arg2: memref<1000000x32xf32, #tpu.memory_space<hbm>>, %arg3: memref<128x128xi32, #tpu.memory_space<hbm>>, %arg4: memref<128x128xi32, #tpu.memory_space<hbm>>, %arg5: memref<16384xf32, #tpu.memory_space<hbm>>, %arg6: memref<4x128xi32, #tpu.memory_space<vmem>>, %arg7: memref<4x128xi32, #tpu.memory_space<vmem>>, %arg8: memref<512x32xf32, #tpu.memory_space<vmem>>, %arg9: memref<512x32xf32, #tpu.memory_space<vmem>>, %arg10: memref<512xf32, #tpu.memory_space<vmem>>, %arg11: memref<!tpu.dma_semaphore, #tpu.memory_space<semaphore_mem>>) attributes {dimension_semantics = [#tpu.dimension_semantics<core_parallel>, #tpu.dimension_semantics<subcore_parallel>], iteration_bounds = array<i64: 2, 16>, scalar_prefetch = 0 : i64, scratch_operands = 6 : i64, tpu.core_type = #tpu.core_type<sc_vector_subcore>, window_params = [{transform_indices = #map}, {transform_indices = #map}, {transform_indices = #map}, {transform_indices = #map1}]} {
    %mul3A = arith.constant 2 : i32
    %mul3A_0 = arith.muli %arg1, %mul3A : i32
    %add3A = arith.addi %mul3A_0, %arg0 : i32
    %mul3A_1 = arith.constant 4 : i32
    %mul3A_2 = arith.muli %add3A, %mul3A_1 : i32
    "tpu.region"() ({
      %run_scoped3A = tpu.sem_alloc : memref<!tpu.dma_semaphore, #tpu.memory_space<semaphore_mem>>
      %dma_start3A_168 = arith.constant 0 : i32
      %dma_start3A_169 = tpu.memref_slice %arg3[%mul3A_2, %dma_start3A_168] : memref<128x128xi32, #tpu.memory_space<hbm>> -> memref<4x128xi32, #tpu.memory_space<hbm>>
      %dma_start3A_170 = arith.constant 0 : i32
      %dma_start3A_171 = tpu.memref_slice %arg3[%mul3A_2, %dma_start3A_170] : memref<128x128xi32, #tpu.memory_space<hbm>> -> memref<4x128xi32, #tpu.memory_space<hbm>>
      tpu.enqueue_dma source(%dma_start3A_171 : memref<4x128xi32, #tpu.memory_space<hbm>>) target(%arg6 : memref<4x128xi32, #tpu.memory_space<vmem>>) target_semaphore(%run_scoped3A : memref<!tpu.dma_semaphore, #tpu.memory_space<semaphore_mem>>)
      %dma_wait3A_172 = arith.constant 0 : i32
      %dma_wait3A_173 = tpu.memref_slice %arg3[%mul3A_2, %dma_wait3A_172] : memref<128x128xi32, #tpu.memory_space<hbm>> -> memref<4x128xi32, #tpu.memory_space<hbm>>
      %dma_wait3A_174 = arith.constant 0 : i32
      %dma_wait3A_175 = tpu.memref_slice %arg3[%mul3A_2, %dma_wait3A_174] : memref<128x128xi32, #tpu.memory_space<hbm>> -> memref<4x128xi32, #tpu.memory_space<hbm>>
      tpu.wait_dma2 semaphore(%run_scoped3A : memref<!tpu.dma_semaphore, #tpu.memory_space<semaphore_mem>>) src(%dma_wait3A_175 : memref<4x128xi32, #tpu.memory_space<hbm>>) dst(%arg6 : memref<4x128xi32, #tpu.memory_space<vmem>>)
      tpu.yield
    }) : () -> ()
    "tpu.region"() ({
      %run_scoped3A = tpu.sem_alloc : memref<!tpu.dma_semaphore, #tpu.memory_space<semaphore_mem>>
      %dma_start3A_168 = arith.constant 0 : i32
      %dma_start3A_169 = tpu.memref_slice %arg4[%mul3A_2, %dma_start3A_168] : memref<128x128xi32, #tpu.memory_space<hbm>> -> memref<4x128xi32, #tpu.memory_space<hbm>>
      %dma_start3A_170 = arith.constant 0 : i32
      %dma_start3A_171 = tpu.memref_slice %arg4[%mul3A_2, %dma_start3A_170] : memref<128x128xi32, #tpu.memory_space<hbm>> -> memref<4x128xi32, #tpu.memory_space<hbm>>
      tpu.enqueue_dma source(%dma_start3A_171 : memref<4x128xi32, #tpu.memory_space<hbm>>) target(%arg7 : memref<4x128xi32, #tpu.memory_space<vmem>>) target_semaphore(%run_scoped3A : memref<!tpu.dma_semaphore, #tpu.memory_space<semaphore_mem>>)
      %dma_wait3A_172 = arith.constant 0 : i32
      %dma_wait3A_173 = tpu.memref_slice %arg4[%mul3A_2, %dma_wait3A_172] : memref<128x128xi32, #tpu.memory_space<hbm>> -> memref<4x128xi32, #tpu.memory_space<hbm>>
      %dma_wait3A_174 = arith.constant 0 : i32
      %dma_wait3A_175 = tpu.memref_slice %arg4[%mul3A_2, %dma_wait3A_174] : memref<128x128xi32, #tpu.memory_space<hbm>> -> memref<4x128xi32, #tpu.memory_space<hbm>>
      tpu.wait_dma2 semaphore(%run_scoped3A : memref<!tpu.dma_semaphore, #tpu.memory_space<semaphore_mem>>) src(%dma_wait3A_175 : memref<4x128xi32, #tpu.memory_space<hbm>>) dst(%arg7 : memref<4x128xi32, #tpu.memory_space<vmem>>)
      tpu.yield
    }) : () -> ()
    %dma_start3A = arith.constant 0 : i32
    %dma_start3A_3 = arith.constant 0 : i32
    %dma_start3A_4 = arith.constant 0 : i32
    %dma_start3A_5 = tpu.memref_slice %arg8[%dma_start3A_3, %dma_start3A_4] : memref<512x32xf32, #tpu.memory_space<vmem>> -> memref<128x32xf32, #tpu.memory_space<vmem>>
    %dma_start3A_6 = arith.constant 0 : i32
    %dma_start3A_7 = tpu.memref_slice %arg6[%dma_start3A, %dma_start3A_6] : memref<4x128xi32, #tpu.memory_space<vmem>> -> memref<1x128xi32, #tpu.memory_space<vmem>>
    %dma_start3A_8 = tpu.memref_squeeze %dma_start3A_7 : memref<1x128xi32, #tpu.memory_space<vmem>> -> memref<128xi32, #tpu.memory_space<vmem>>
    %dma_start3A_9 = arith.constant 0 : i32
    %dma_start3A_10 = arith.constant 0 : i32
    %dma_start3A_11 = tpu.memref_slice %arg2[%dma_start3A_9, %dma_start3A_10] : memref<1000000x32xf32, #tpu.memory_space<hbm>> -> memref<1000000x32xf32, #tpu.memory_space<hbm>>
    tpu.enqueue_indirect_dma source(%dma_start3A_11 : memref<1000000x32xf32, #tpu.memory_space<hbm>>) target(%dma_start3A_5 : memref<128x32xf32, #tpu.memory_space<vmem>>) offsets(%dma_start3A_8 : memref<128xi32, #tpu.memory_space<vmem>>) semaphore(%arg11 : memref<!tpu.dma_semaphore, #tpu.memory_space<semaphore_mem>>)
    %dma_start3A_12 = arith.constant 0 : i32
    %dma_start3A_13 = arith.constant 0 : i32
    %dma_start3A_14 = arith.constant 0 : i32
    %dma_start3A_15 = tpu.memref_slice %arg9[%dma_start3A_13, %dma_start3A_14] : memref<512x32xf32, #tpu.memory_space<vmem>> -> memref<128x32xf32, #tpu.memory_space<vmem>>
    %dma_start3A_16 = arith.constant 0 : i32
    %dma_start3A_17 = tpu.memref_slice %arg7[%dma_start3A_12, %dma_start3A_16] : memref<4x128xi32, #tpu.memory_space<vmem>> -> memref<1x128xi32, #tpu.memory_space<vmem>>
    %dma_start3A_18 = tpu.memref_squeeze %dma_start3A_17 : memref<1x128xi32, #tpu.memory_space<vmem>> -> memref<128xi32, #tpu.memory_space<vmem>>
    %dma_start3A_19 = arith.constant 0 : i32
    %dma_start3A_20 = arith.constant 0 : i32
    %dma_start3A_21 = tpu.memref_slice %arg2[%dma_start3A_19, %dma_start3A_20] : memref<1000000x32xf32, #tpu.memory_space<hbm>> -> memref<1000000x32xf32, #tpu.memory_space<hbm>>
    tpu.enqueue_indirect_dma source(%dma_start3A_21 : memref<1000000x32xf32, #tpu.memory_space<hbm>>) target(%dma_start3A_15 : memref<128x32xf32, #tpu.memory_space<vmem>>) offsets(%dma_start3A_18 : memref<128xi32, #tpu.memory_space<vmem>>) semaphore(%arg11 : memref<!tpu.dma_semaphore, #tpu.memory_space<semaphore_mem>>)
    %dma_start3A_22 = arith.constant 1 : i32
    %dma_start3A_23 = arith.constant 128 : i32
    %dma_start3A_24 = arith.constant 0 : i32
    %dma_start3A_25 = tpu.memref_slice %arg8[%dma_start3A_23, %dma_start3A_24] : memref<512x32xf32, #tpu.memory_space<vmem>> -> memref<128x32xf32, #tpu.memory_space<vmem>>
    %dma_start3A_26 = arith.constant 0 : i32
    %dma_start3A_27 = tpu.memref_slice %arg6[%dma_start3A_22, %dma_start3A_26] : memref<4x128xi32, #tpu.memory_space<vmem>> -> memref<1x128xi32, #tpu.memory_space<vmem>>
    %dma_start3A_28 = tpu.memref_squeeze %dma_start3A_27 : memref<1x128xi32, #tpu.memory_space<vmem>> -> memref<128xi32, #tpu.memory_space<vmem>>
    %dma_start3A_29 = arith.constant 0 : i32
    %dma_start3A_30 = arith.constant 0 : i32
    %dma_start3A_31 = tpu.memref_slice %arg2[%dma_start3A_29, %dma_start3A_30] : memref<1000000x32xf32, #tpu.memory_space<hbm>> -> memref<1000000x32xf32, #tpu.memory_space<hbm>>
    tpu.enqueue_indirect_dma source(%dma_start3A_31 : memref<1000000x32xf32, #tpu.memory_space<hbm>>) target(%dma_start3A_25 : memref<128x32xf32, #tpu.memory_space<vmem>>) offsets(%dma_start3A_28 : memref<128xi32, #tpu.memory_space<vmem>>) semaphore(%arg11 : memref<!tpu.dma_semaphore, #tpu.memory_space<semaphore_mem>>)
    %dma_start3A_32 = arith.constant 1 : i32
    %dma_start3A_33 = arith.constant 128 : i32
    %dma_start3A_34 = arith.constant 0 : i32
    %dma_start3A_35 = tpu.memref_slice %arg9[%dma_start3A_33, %dma_start3A_34] : memref<512x32xf32, #tpu.memory_space<vmem>> -> memref<128x32xf32, #tpu.memory_space<vmem>>
    %dma_start3A_36 = arith.constant 0 : i32
    %dma_start3A_37 = tpu.memref_slice %arg7[%dma_start3A_32, %dma_start3A_36] : memref<4x128xi32, #tpu.memory_space<vmem>> -> memref<1x128xi32, #tpu.memory_space<vmem>>
    %dma_start3A_38 = tpu.memref_squeeze %dma_start3A_37 : memref<1x128xi32, #tpu.memory_space<vmem>> -> memref<128xi32, #tpu.memory_space<vmem>>
    %dma_start3A_39 = arith.constant 0 : i32
    %dma_start3A_40 = arith.constant 0 : i32
    %dma_start3A_41 = tpu.memref_slice %arg2[%dma_start3A_39, %dma_start3A_40] : memref<1000000x32xf32, #tpu.memory_space<hbm>> -> memref<1000000x32xf32, #tpu.memory_space<hbm>>
    tpu.enqueue_indirect_dma source(%dma_start3A_41 : memref<1000000x32xf32, #tpu.memory_space<hbm>>) target(%dma_start3A_35 : memref<128x32xf32, #tpu.memory_space<vmem>>) offsets(%dma_start3A_38 : memref<128xi32, #tpu.memory_space<vmem>>) semaphore(%arg11 : memref<!tpu.dma_semaphore, #tpu.memory_space<semaphore_mem>>)
    %dma_start3A_42 = arith.constant 2 : i32
    %dma_start3A_43 = arith.constant 256 : i32
    %dma_start3A_44 = arith.constant 0 : i32
    %dma_start3A_45 = tpu.memref_slice %arg8[%dma_start3A_43, %dma_start3A_44] : memref<512x32xf32, #tpu.memory_space<vmem>> -> memref<128x32xf32, #tpu.memory_space<vmem>>
    %dma_start3A_46 = arith.constant 0 : i32
    %dma_start3A_47 = tpu.memref_slice %arg6[%dma_start3A_42, %dma_start3A_46] : memref<4x128xi32, #tpu.memory_space<vmem>> -> memref<1x128xi32, #tpu.memory_space<vmem>>
    %dma_start3A_48 = tpu.memref_squeeze %dma_start3A_47 : memref<1x128xi32, #tpu.memory_space<vmem>> -> memref<128xi32, #tpu.memory_space<vmem>>
    %dma_start3A_49 = arith.constant 0 : i32
    %dma_start3A_50 = arith.constant 0 : i32
    %dma_start3A_51 = tpu.memref_slice %arg2[%dma_start3A_49, %dma_start3A_50] : memref<1000000x32xf32, #tpu.memory_space<hbm>> -> memref<1000000x32xf32, #tpu.memory_space<hbm>>
    tpu.enqueue_indirect_dma source(%dma_start3A_51 : memref<1000000x32xf32, #tpu.memory_space<hbm>>) target(%dma_start3A_45 : memref<128x32xf32, #tpu.memory_space<vmem>>) offsets(%dma_start3A_48 : memref<128xi32, #tpu.memory_space<vmem>>) semaphore(%arg11 : memref<!tpu.dma_semaphore, #tpu.memory_space<semaphore_mem>>)
    %dma_start3A_52 = arith.constant 2 : i32
    %dma_start3A_53 = arith.constant 256 : i32
    %dma_start3A_54 = arith.constant 0 : i32
    %dma_start3A_55 = tpu.memref_slice %arg9[%dma_start3A_53, %dma_start3A_54] : memref<512x32xf32, #tpu.memory_space<vmem>> -> memref<128x32xf32, #tpu.memory_space<vmem>>
    %dma_start3A_56 = arith.constant 0 : i32
    %dma_start3A_57 = tpu.memref_slice %arg7[%dma_start3A_52, %dma_start3A_56] : memref<4x128xi32, #tpu.memory_space<vmem>> -> memref<1x128xi32, #tpu.memory_space<vmem>>
    %dma_start3A_58 = tpu.memref_squeeze %dma_start3A_57 : memref<1x128xi32, #tpu.memory_space<vmem>> -> memref<128xi32, #tpu.memory_space<vmem>>
    %dma_start3A_59 = arith.constant 0 : i32
    %dma_start3A_60 = arith.constant 0 : i32
    %dma_start3A_61 = tpu.memref_slice %arg2[%dma_start3A_59, %dma_start3A_60] : memref<1000000x32xf32, #tpu.memory_space<hbm>> -> memref<1000000x32xf32, #tpu.memory_space<hbm>>
    tpu.enqueue_indirect_dma source(%dma_start3A_61 : memref<1000000x32xf32, #tpu.memory_space<hbm>>) target(%dma_start3A_55 : memref<128x32xf32, #tpu.memory_space<vmem>>) offsets(%dma_start3A_58 : memref<128xi32, #tpu.memory_space<vmem>>) semaphore(%arg11 : memref<!tpu.dma_semaphore, #tpu.memory_space<semaphore_mem>>)
    %dma_start3A_62 = arith.constant 3 : i32
    %dma_start3A_63 = arith.constant 384 : i32
    %dma_start3A_64 = arith.constant 0 : i32
    %dma_start3A_65 = tpu.memref_slice %arg8[%dma_start3A_63, %dma_start3A_64] : memref<512x32xf32, #tpu.memory_space<vmem>> -> memref<128x32xf32, #tpu.memory_space<vmem>>
    %dma_start3A_66 = arith.constant 0 : i32
    %dma_start3A_67 = tpu.memref_slice %arg6[%dma_start3A_62, %dma_start3A_66] : memref<4x128xi32, #tpu.memory_space<vmem>> -> memref<1x128xi32, #tpu.memory_space<vmem>>
    %dma_start3A_68 = tpu.memref_squeeze %dma_start3A_67 : memref<1x128xi32, #tpu.memory_space<vmem>> -> memref<128xi32, #tpu.memory_space<vmem>>
    %dma_start3A_69 = arith.constant 0 : i32
    %dma_start3A_70 = arith.constant 0 : i32
    %dma_start3A_71 = tpu.memref_slice %arg2[%dma_start3A_69, %dma_start3A_70] : memref<1000000x32xf32, #tpu.memory_space<hbm>> -> memref<1000000x32xf32, #tpu.memory_space<hbm>>
    tpu.enqueue_indirect_dma source(%dma_start3A_71 : memref<1000000x32xf32, #tpu.memory_space<hbm>>) target(%dma_start3A_65 : memref<128x32xf32, #tpu.memory_space<vmem>>) offsets(%dma_start3A_68 : memref<128xi32, #tpu.memory_space<vmem>>) semaphore(%arg11 : memref<!tpu.dma_semaphore, #tpu.memory_space<semaphore_mem>>)
    %dma_start3A_72 = arith.constant 3 : i32
    %dma_start3A_73 = arith.constant 384 : i32
    %dma_start3A_74 = arith.constant 0 : i32
    %dma_start3A_75 = tpu.memref_slice %arg9[%dma_start3A_73, %dma_start3A_74] : memref<512x32xf32, #tpu.memory_space<vmem>> -> memref<128x32xf32, #tpu.memory_space<vmem>>
    %dma_start3A_76 = arith.constant 0 : i32
    %dma_start3A_77 = tpu.memref_slice %arg7[%dma_start3A_72, %dma_start3A_76] : memref<4x128xi32, #tpu.memory_space<vmem>> -> memref<1x128xi32, #tpu.memory_space<vmem>>
    %dma_start3A_78 = tpu.memref_squeeze %dma_start3A_77 : memref<1x128xi32, #tpu.memory_space<vmem>> -> memref<128xi32, #tpu.memory_space<vmem>>
    %dma_start3A_79 = arith.constant 0 : i32
    %dma_start3A_80 = arith.constant 0 : i32
    %dma_start3A_81 = tpu.memref_slice %arg2[%dma_start3A_79, %dma_start3A_80] : memref<1000000x32xf32, #tpu.memory_space<hbm>> -> memref<1000000x32xf32, #tpu.memory_space<hbm>>
    tpu.enqueue_indirect_dma source(%dma_start3A_81 : memref<1000000x32xf32, #tpu.memory_space<hbm>>) target(%dma_start3A_75 : memref<128x32xf32, #tpu.memory_space<vmem>>) offsets(%dma_start3A_78 : memref<128xi32, #tpu.memory_space<vmem>>) semaphore(%arg11 : memref<!tpu.dma_semaphore, #tpu.memory_space<semaphore_mem>>)
    %dma_wait3A = arith.constant 0 : i32
    %dma_wait3A_82 = arith.constant 0 : i32
    %dma_wait3A_83 = arith.constant 0 : i32
    %dma_wait3A_84 = tpu.memref_slice %arg8[%dma_wait3A_82, %dma_wait3A_83] : memref<512x32xf32, #tpu.memory_space<vmem>> -> memref<128x32xf32, #tpu.memory_space<vmem>>
    %dma_wait3A_85 = arith.constant 0 : i32
    %dma_wait3A_86 = tpu.memref_slice %arg6[%dma_wait3A, %dma_wait3A_85] : memref<4x128xi32, #tpu.memory_space<vmem>> -> memref<1x128xi32, #tpu.memory_space<vmem>>
    %dma_wait3A_87 = tpu.memref_squeeze %dma_wait3A_86 : memref<1x128xi32, #tpu.memory_space<vmem>> -> memref<128xi32, #tpu.memory_space<vmem>>
    %dma_wait3A_88 = arith.constant 0 : i32
    %dma_wait3A_89 = arith.constant 0 : i32
    %dma_wait3A_90 = tpu.memref_slice %arg2[%dma_wait3A_88, %dma_wait3A_89] : memref<1000000x32xf32, #tpu.memory_space<hbm>> -> memref<1000000x32xf32, #tpu.memory_space<hbm>>
    tpu.wait_indirect_dma semaphore(%arg11 : memref<!tpu.dma_semaphore, #tpu.memory_space<semaphore_mem>>) src(%dma_wait3A_90 : memref<1000000x32xf32, #tpu.memory_space<hbm>>) dst(%dma_wait3A_84 : memref<128x32xf32, #tpu.memory_space<vmem>>)
    %dma_wait3A_91 = arith.constant 0 : i32
    %dma_wait3A_92 = arith.constant 0 : i32
    %dma_wait3A_93 = arith.constant 0 : i32
    %dma_wait3A_94 = tpu.memref_slice %arg9[%dma_wait3A_92, %dma_wait3A_93] : memref<512x32xf32, #tpu.memory_space<vmem>> -> memref<128x32xf32, #tpu.memory_space<vmem>>
    %dma_wait3A_95 = arith.constant 0 : i32
    %dma_wait3A_96 = tpu.memref_slice %arg7[%dma_wait3A_91, %dma_wait3A_95] : memref<4x128xi32, #tpu.memory_space<vmem>> -> memref<1x128xi32, #tpu.memory_space<vmem>>
    %dma_wait3A_97 = tpu.memref_squeeze %dma_wait3A_96 : memref<1x128xi32, #tpu.memory_space<vmem>> -> memref<128xi32, #tpu.memory_space<vmem>>
    %dma_wait3A_98 = arith.constant 0 : i32
    %dma_wait3A_99 = arith.constant 0 : i32
    %dma_wait3A_100 = tpu.memref_slice %arg2[%dma_wait3A_98, %dma_wait3A_99] : memref<1000000x32xf32, #tpu.memory_space<hbm>> -> memref<1000000x32xf32, #tpu.memory_space<hbm>>
    tpu.wait_indirect_dma semaphore(%arg11 : memref<!tpu.dma_semaphore, #tpu.memory_space<semaphore_mem>>) src(%dma_wait3A_100 : memref<1000000x32xf32, #tpu.memory_space<hbm>>) dst(%dma_wait3A_94 : memref<128x32xf32, #tpu.memory_space<vmem>>)
    %dma_wait3A_101 = arith.constant 1 : i32
    %dma_wait3A_102 = arith.constant 128 : i32
    %dma_wait3A_103 = arith.constant 0 : i32
    %dma_wait3A_104 = tpu.memref_slice %arg8[%dma_wait3A_102, %dma_wait3A_103] : memref<512x32xf32, #tpu.memory_space<vmem>> -> memref<128x32xf32, #tpu.memory_space<vmem>>
    %dma_wait3A_105 = arith.constant 0 : i32
    %dma_wait3A_106 = tpu.memref_slice %arg6[%dma_wait3A_101, %dma_wait3A_105] : memref<4x128xi32, #tpu.memory_space<vmem>> -> memref<1x128xi32, #tpu.memory_space<vmem>>
    %dma_wait3A_107 = tpu.memref_squeeze %dma_wait3A_106 : memref<1x128xi32, #tpu.memory_space<vmem>> -> memref<128xi32, #tpu.memory_space<vmem>>
    %dma_wait3A_108 = arith.constant 0 : i32
    %dma_wait3A_109 = arith.constant 0 : i32
    %dma_wait3A_110 = tpu.memref_slice %arg2[%dma_wait3A_108, %dma_wait3A_109] : memref<1000000x32xf32, #tpu.memory_space<hbm>> -> memref<1000000x32xf32, #tpu.memory_space<hbm>>
    tpu.wait_indirect_dma semaphore(%arg11 : memref<!tpu.dma_semaphore, #tpu.memory_space<semaphore_mem>>) src(%dma_wait3A_110 : memref<1000000x32xf32, #tpu.memory_space<hbm>>) dst(%dma_wait3A_104 : memref<128x32xf32, #tpu.memory_space<vmem>>)
    %dma_wait3A_111 = arith.constant 1 : i32
    %dma_wait3A_112 = arith.constant 128 : i32
    %dma_wait3A_113 = arith.constant 0 : i32
    %dma_wait3A_114 = tpu.memref_slice %arg9[%dma_wait3A_112, %dma_wait3A_113] : memref<512x32xf32, #tpu.memory_space<vmem>> -> memref<128x32xf32, #tpu.memory_space<vmem>>
    %dma_wait3A_115 = arith.constant 0 : i32
    %dma_wait3A_116 = tpu.memref_slice %arg7[%dma_wait3A_111, %dma_wait3A_115] : memref<4x128xi32, #tpu.memory_space<vmem>> -> memref<1x128xi32, #tpu.memory_space<vmem>>
    %dma_wait3A_117 = tpu.memref_squeeze %dma_wait3A_116 : memref<1x128xi32, #tpu.memory_space<vmem>> -> memref<128xi32, #tpu.memory_space<vmem>>
    %dma_wait3A_118 = arith.constant 0 : i32
    %dma_wait3A_119 = arith.constant 0 : i32
    %dma_wait3A_120 = tpu.memref_slice %arg2[%dma_wait3A_118, %dma_wait3A_119] : memref<1000000x32xf32, #tpu.memory_space<hbm>> -> memref<1000000x32xf32, #tpu.memory_space<hbm>>
    tpu.wait_indirect_dma semaphore(%arg11 : memref<!tpu.dma_semaphore, #tpu.memory_space<semaphore_mem>>) src(%dma_wait3A_120 : memref<1000000x32xf32, #tpu.memory_space<hbm>>) dst(%dma_wait3A_114 : memref<128x32xf32, #tpu.memory_space<vmem>>)
    %dma_wait3A_121 = arith.constant 2 : i32
    %dma_wait3A_122 = arith.constant 256 : i32
    %dma_wait3A_123 = arith.constant 0 : i32
    %dma_wait3A_124 = tpu.memref_slice %arg8[%dma_wait3A_122, %dma_wait3A_123] : memref<512x32xf32, #tpu.memory_space<vmem>> -> memref<128x32xf32, #tpu.memory_space<vmem>>
    %dma_wait3A_125 = arith.constant 0 : i32
    %dma_wait3A_126 = tpu.memref_slice %arg6[%dma_wait3A_121, %dma_wait3A_125] : memref<4x128xi32, #tpu.memory_space<vmem>> -> memref<1x128xi32, #tpu.memory_space<vmem>>
    %dma_wait3A_127 = tpu.memref_squeeze %dma_wait3A_126 : memref<1x128xi32, #tpu.memory_space<vmem>> -> memref<128xi32, #tpu.memory_space<vmem>>
    %dma_wait3A_128 = arith.constant 0 : i32
    %dma_wait3A_129 = arith.constant 0 : i32
    %dma_wait3A_130 = tpu.memref_slice %arg2[%dma_wait3A_128, %dma_wait3A_129] : memref<1000000x32xf32, #tpu.memory_space<hbm>> -> memref<1000000x32xf32, #tpu.memory_space<hbm>>
    tpu.wait_indirect_dma semaphore(%arg11 : memref<!tpu.dma_semaphore, #tpu.memory_space<semaphore_mem>>) src(%dma_wait3A_130 : memref<1000000x32xf32, #tpu.memory_space<hbm>>) dst(%dma_wait3A_124 : memref<128x32xf32, #tpu.memory_space<vmem>>)
    %dma_wait3A_131 = arith.constant 2 : i32
    %dma_wait3A_132 = arith.constant 256 : i32
    %dma_wait3A_133 = arith.constant 0 : i32
    %dma_wait3A_134 = tpu.memref_slice %arg9[%dma_wait3A_132, %dma_wait3A_133] : memref<512x32xf32, #tpu.memory_space<vmem>> -> memref<128x32xf32, #tpu.memory_space<vmem>>
    %dma_wait3A_135 = arith.constant 0 : i32
    %dma_wait3A_136 = tpu.memref_slice %arg7[%dma_wait3A_131, %dma_wait3A_135] : memref<4x128xi32, #tpu.memory_space<vmem>> -> memref<1x128xi32, #tpu.memory_space<vmem>>
    %dma_wait3A_137 = tpu.memref_squeeze %dma_wait3A_136 : memref<1x128xi32, #tpu.memory_space<vmem>> -> memref<128xi32, #tpu.memory_space<vmem>>
    %dma_wait3A_138 = arith.constant 0 : i32
    %dma_wait3A_139 = arith.constant 0 : i32
    %dma_wait3A_140 = tpu.memref_slice %arg2[%dma_wait3A_138, %dma_wait3A_139] : memref<1000000x32xf32, #tpu.memory_space<hbm>> -> memref<1000000x32xf32, #tpu.memory_space<hbm>>
    tpu.wait_indirect_dma semaphore(%arg11 : memref<!tpu.dma_semaphore, #tpu.memory_space<semaphore_mem>>) src(%dma_wait3A_140 : memref<1000000x32xf32, #tpu.memory_space<hbm>>) dst(%dma_wait3A_134 : memref<128x32xf32, #tpu.memory_space<vmem>>)
    %dma_wait3A_141 = arith.constant 3 : i32
    %dma_wait3A_142 = arith.constant 384 : i32
    %dma_wait3A_143 = arith.constant 0 : i32
    %dma_wait3A_144 = tpu.memref_slice %arg8[%dma_wait3A_142, %dma_wait3A_143] : memref<512x32xf32, #tpu.memory_space<vmem>> -> memref<128x32xf32, #tpu.memory_space<vmem>>
    %dma_wait3A_145 = arith.constant 0 : i32
    %dma_wait3A_146 = tpu.memref_slice %arg6[%dma_wait3A_141, %dma_wait3A_145] : memref<4x128xi32, #tpu.memory_space<vmem>> -> memref<1x128xi32, #tpu.memory_space<vmem>>
    %dma_wait3A_147 = tpu.memref_squeeze %dma_wait3A_146 : memref<1x128xi32, #tpu.memory_space<vmem>> -> memref<128xi32, #tpu.memory_space<vmem>>
    %dma_wait3A_148 = arith.constant 0 : i32
    %dma_wait3A_149 = arith.constant 0 : i32
    %dma_wait3A_150 = tpu.memref_slice %arg2[%dma_wait3A_148, %dma_wait3A_149] : memref<1000000x32xf32, #tpu.memory_space<hbm>> -> memref<1000000x32xf32, #tpu.memory_space<hbm>>
    tpu.wait_indirect_dma semaphore(%arg11 : memref<!tpu.dma_semaphore, #tpu.memory_space<semaphore_mem>>) src(%dma_wait3A_150 : memref<1000000x32xf32, #tpu.memory_space<hbm>>) dst(%dma_wait3A_144 : memref<128x32xf32, #tpu.memory_space<vmem>>)
    %dma_wait3A_151 = arith.constant 3 : i32
    %dma_wait3A_152 = arith.constant 384 : i32
    %dma_wait3A_153 = arith.constant 0 : i32
    %dma_wait3A_154 = tpu.memref_slice %arg9[%dma_wait3A_152, %dma_wait3A_153] : memref<512x32xf32, #tpu.memory_space<vmem>> -> memref<128x32xf32, #tpu.memory_space<vmem>>
    %dma_wait3A_155 = arith.constant 0 : i32
    %dma_wait3A_156 = tpu.memref_slice %arg7[%dma_wait3A_151, %dma_wait3A_155] : memref<4x128xi32, #tpu.memory_space<vmem>> -> memref<1x128xi32, #tpu.memory_space<vmem>>
    %dma_wait3A_157 = tpu.memref_squeeze %dma_wait3A_156 : memref<1x128xi32, #tpu.memory_space<vmem>> -> memref<128xi32, #tpu.memory_space<vmem>>
    %dma_wait3A_158 = arith.constant 0 : i32
    %dma_wait3A_159 = arith.constant 0 : i32
    %dma_wait3A_160 = tpu.memref_slice %arg2[%dma_wait3A_158, %dma_wait3A_159] : memref<1000000x32xf32, #tpu.memory_space<hbm>> -> memref<1000000x32xf32, #tpu.memory_space<hbm>>
    tpu.wait_indirect_dma semaphore(%arg11 : memref<!tpu.dma_semaphore, #tpu.memory_space<semaphore_mem>>) src(%dma_wait3A_160 : memref<1000000x32xf32, #tpu.memory_space<hbm>>) dst(%dma_wait3A_154 : memref<128x32xf32, #tpu.memory_space<vmem>>)
    %iota3A = tpu.iota {dimensions = array<i32: 0>} : vector<16xi32>
    %scan3A = arith.constant 0 : i32
    %scan3A_161 = arith.constant 0 : i32
    %scan3A_162 = arith.constant 32 : i32
    %scan3A_163 = arith.addi %scan3A_161, %scan3A_162 : i32
    %scan3A_164 = arith.constant 1 : i32
    scf.for %scan3A_168 = %scan3A_161 to %scan3A_163 step %scan3A_164  : i32 {
      %mul3A_169 = arith.constant 16 : i32
      %mul3A_170 = arith.muli %scan3A_168, %mul3A_169 : i32
      %add3A_171 = vector.broadcast %mul3A_170 : i32 to vector<16xi32>
      %add3A_172 = arith.addi %add3A_171, %iota3A : vector<16xi32>
      %broadcast_in_dim3A = arith.constant 0.000000e+00 : f32
      %broadcast_in_dim3A_173 = vector.broadcast %broadcast_in_dim3A : f32 to vector<16xf32>
      %broadcast_in_dim3A_174 = arith.constant 0 : i32
      %broadcast_in_dim3A_175 = vector.broadcast %broadcast_in_dim3A_174 : i32 to vector<16xi32>
      %gather3A = tpu.vector_load_idx %arg8[%add3A_172, %broadcast_in_dim3A_175] : memref<512x32xf32, #tpu.memory_space<vmem>>[vector<16xi32>, vector<16xi32>], vector<16xf32>,
      %gather3A_176 = tpu.vector_load_idx %arg9[%add3A_172, %broadcast_in_dim3A_175] : memref<512x32xf32, #tpu.memory_space<vmem>>[vector<16xi32>, vector<16xi32>], vector<16xf32>,
      %mul3A_177 = arith.mulf %gather3A, %gather3A_176 : vector<16xf32>
      %add3A_178 = arith.addf %broadcast_in_dim3A_173, %mul3A_177 : vector<16xf32>
      %broadcast_in_dim3A_179 = arith.constant 1 : i32
      %broadcast_in_dim3A_180 = vector.broadcast %broadcast_in_dim3A_179 : i32 to vector<16xi32>
      %gather3A_181 = tpu.vector_load_idx %arg8[%add3A_172, %broadcast_in_dim3A_180] : memref<512x32xf32, #tpu.memory_space<vmem>>[vector<16xi32>, vector<16xi32>], vector<16xf32>,
      %gather3A_182 = tpu.vector_load_idx %arg9[%add3A_172, %broadcast_in_dim3A_180] : memref<512x32xf32, #tpu.memory_space<vmem>>[vector<16xi32>, vector<16xi32>], vector<16xf32>,
      %mul3A_183 = arith.mulf %gather3A_181, %gather3A_182 : vector<16xf32>
      %add3A_184 = arith.addf %add3A_178, %mul3A_183 : vector<16xf32>
      %broadcast_in_dim3A_185 = arith.constant 2 : i32
      %broadcast_in_dim3A_186 = vector.broadcast %broadcast_in_dim3A_185 : i32 to vector<16xi32>
      %gather3A_187 = tpu.vector_load_idx %arg8[%add3A_172, %broadcast_in_dim3A_186] : memref<512x32xf32, #tpu.memory_space<vmem>>[vector<16xi32>, vector<16xi32>], vector<16xf32>,
      %gather3A_188 = tpu.vector_load_idx %arg9[%add3A_172, %broadcast_in_dim3A_186] : memref<512x32xf32, #tpu.memory_space<vmem>>[vector<16xi32>, vector<16xi32>], vector<16xf32>,
      %mul3A_189 = arith.mulf %gather3A_187, %gather3A_188 : vector<16xf32>
      %add3A_190 = arith.addf %add3A_184, %mul3A_189 : vector<16xf32>
      %broadcast_in_dim3A_191 = arith.constant 3 : i32
      %broadcast_in_dim3A_192 = vector.broadcast %broadcast_in_dim3A_191 : i32 to vector<16xi32>
      %gather3A_193 = tpu.vector_load_idx %arg8[%add3A_172, %broadcast_in_dim3A_192] : memref<512x32xf32, #tpu.memory_space<vmem>>[vector<16xi32>, vector<16xi32>], vector<16xf32>,
      %gather3A_194 = tpu.vector_load_idx %arg9[%add3A_172, %broadcast_in_dim3A_192] : memref<512x32xf32, #tpu.memory_space<vmem>>[vector<16xi32>, vector<16xi32>], vector<16xf32>,
      %mul3A_195 = arith.mulf %gather3A_193, %gather3A_194 : vector<16xf32>
      %add3A_196 = arith.addf %add3A_190, %mul3A_195 : vector<16xf32>
      %broadcast_in_dim3A_197 = arith.constant 4 : i32
      %broadcast_in_dim3A_198 = vector.broadcast %broadcast_in_dim3A_197 : i32 to vector<16xi32>
      %gather3A_199 = tpu.vector_load_idx %arg8[%add3A_172, %broadcast_in_dim3A_198] : memref<512x32xf32, #tpu.memory_space<vmem>>[vector<16xi32>, vector<16xi32>], vector<16xf32>,
      %gather3A_200 = tpu.vector_load_idx %arg9[%add3A_172, %broadcast_in_dim3A_198] : memref<512x32xf32, #tpu.memory_space<vmem>>[vector<16xi32>, vector<16xi32>], vector<16xf32>,
      %mul3A_201 = arith.mulf %gather3A_199, %gather3A_200 : vector<16xf32>
      %add3A_202 = arith.addf %add3A_196, %mul3A_201 : vector<16xf32>
      %broadcast_in_dim3A_203 = arith.constant 5 : i32
      %broadcast_in_dim3A_204 = vector.broadcast %broadcast_in_dim3A_203 : i32 to vector<16xi32>
      %gather3A_205 = tpu.vector_load_idx %arg8[%add3A_172, %broadcast_in_dim3A_204] : memref<512x32xf32, #tpu.memory_space<vmem>>[vector<16xi32>, vector<16xi32>], vector<16xf32>,
      %gather3A_206 = tpu.vector_load_idx %arg9[%add3A_172, %broadcast_in_dim3A_204] : memref<512x32xf32, #tpu.memory_space<vmem>>[vector<16xi32>, vector<16xi32>], vector<16xf32>,
      %mul3A_207 = arith.mulf %gather3A_205, %gather3A_206 : vector<16xf32>
      %add3A_208 = arith.addf %add3A_202, %mul3A_207 : vector<16xf32>
      %broadcast_in_dim3A_209 = arith.constant 6 : i32
      %broadcast_in_dim3A_210 = vector.broadcast %broadcast_in_dim3A_209 : i32 to vector<16xi32>
      %gather3A_211 = tpu.vector_load_idx %arg8[%add3A_172, %broadcast_in_dim3A_210] : memref<512x32xf32, #tpu.memory_space<vmem>>[vector<16xi32>, vector<16xi32>], vector<16xf32>,
      %gather3A_212 = tpu.vector_load_idx %arg9[%add3A_172, %broadcast_in_dim3A_210] : memref<512x32xf32, #tpu.memory_space<vmem>>[vector<16xi32>, vector<16xi32>], vector<16xf32>,
      %mul3A_213 = arith.mulf %gather3A_211, %gather3A_212 : vector<16xf32>
      %add3A_214 = arith.addf %add3A_208, %mul3A_213 : vector<16xf32>
      %broadcast_in_dim3A_215 = arith.constant 7 : i32
      %broadcast_in_dim3A_216 = vector.broadcast %broadcast_in_dim3A_215 : i32 to vector<16xi32>
      %gather3A_217 = tpu.vector_load_idx %arg8[%add3A_172, %broadcast_in_dim3A_216] : memref<512x32xf32, #tpu.memory_space<vmem>>[vector<16xi32>, vector<16xi32>], vector<16xf32>,
      %gather3A_218 = tpu.vector_load_idx %arg9[%add3A_172, %broadcast_in_dim3A_216] : memref<512x32xf32, #tpu.memory_space<vmem>>[vector<16xi32>, vector<16xi32>], vector<16xf32>,
      %mul3A_219 = arith.mulf %gather3A_217, %gather3A_218 : vector<16xf32>
      %add3A_220 = arith.addf %add3A_214, %mul3A_219 : vector<16xf32>
      %broadcast_in_dim3A_221 = arith.constant 8 : i32
      %broadcast_in_dim3A_222 = vector.broadcast %broadcast_in_dim3A_221 : i32 to vector<16xi32>
      %gather3A_223 = tpu.vector_load_idx %arg8[%add3A_172, %broadcast_in_dim3A_222] : memref<512x32xf32, #tpu.memory_space<vmem>>[vector<16xi32>, vector<16xi32>], vector<16xf32>,
      %gather3A_224 = tpu.vector_load_idx %arg9[%add3A_172, %broadcast_in_dim3A_222] : memref<512x32xf32, #tpu.memory_space<vmem>>[vector<16xi32>, vector<16xi32>], vector<16xf32>,
      %mul3A_225 = arith.mulf %gather3A_223, %gather3A_224 : vector<16xf32>
      %add3A_226 = arith.addf %add3A_220, %mul3A_225 : vector<16xf32>
      %broadcast_in_dim3A_227 = arith.constant 9 : i32
      %broadcast_in_dim3A_228 = vector.broadcast %broadcast_in_dim3A_227 : i32 to vector<16xi32>
      %gather3A_229 = tpu.vector_load_idx %arg8[%add3A_172, %broadcast_in_dim3A_228] : memref<512x32xf32, #tpu.memory_space<vmem>>[vector<16xi32>, vector<16xi32>], vector<16xf32>,
      %gather3A_230 = tpu.vector_load_idx %arg9[%add3A_172, %broadcast_in_dim3A_228] : memref<512x32xf32, #tpu.memory_space<vmem>>[vector<16xi32>, vector<16xi32>], vector<16xf32>,
      %mul3A_231 = arith.mulf %gather3A_229, %gather3A_230 : vector<16xf32>
      %add3A_232 = arith.addf %add3A_226, %mul3A_231 : vector<16xf32>
      %broadcast_in_dim3A_233 = arith.constant 10 : i32
      %broadcast_in_dim3A_234 = vector.broadcast %broadcast_in_dim3A_233 : i32 to vector<16xi32>
      %gather3A_235 = tpu.vector_load_idx %arg8[%add3A_172, %broadcast_in_dim3A_234] : memref<512x32xf32, #tpu.memory_space<vmem>>[vector<16xi32>, vector<16xi32>], vector<16xf32>,
      %gather3A_236 = tpu.vector_load_idx %arg9[%add3A_172, %broadcast_in_dim3A_234] : memref<512x32xf32, #tpu.memory_space<vmem>>[vector<16xi32>, vector<16xi32>], vector<16xf32>,
      %mul3A_237 = arith.mulf %gather3A_235, %gather3A_236 : vector<16xf32>
      %add3A_238 = arith.addf %add3A_232, %mul3A_237 : vector<16xf32>
      %broadcast_in_dim3A_239 = arith.constant 11 : i32
      %broadcast_in_dim3A_240 = vector.broadcast %broadcast_in_dim3A_239 : i32 to vector<16xi32>
      %gather3A_241 = tpu.vector_load_idx %arg8[%add3A_172, %broadcast_in_dim3A_240] : memref<512x32xf32, #tpu.memory_space<vmem>>[vector<16xi32>, vector<16xi32>], vector<16xf32>,
      %gather3A_242 = tpu.vector_load_idx %arg9[%add3A_172, %broadcast_in_dim3A_240] : memref<512x32xf32, #tpu.memory_space<vmem>>[vector<16xi32>, vector<16xi32>], vector<16xf32>,
      %mul3A_243 = arith.mulf %gather3A_241, %gather3A_242 : vector<16xf32>
      %add3A_244 = arith.addf %add3A_238, %mul3A_243 : vector<16xf32>
      %broadcast_in_dim3A_245 = arith.constant 12 : i32
      %broadcast_in_dim3A_246 = vector.broadcast %broadcast_in_dim3A_245 : i32 to vector<16xi32>
      %gather3A_247 = tpu.vector_load_idx %arg8[%add3A_172, %broadcast_in_dim3A_246] : memref<512x32xf32, #tpu.memory_space<vmem>>[vector<16xi32>, vector<16xi32>], vector<16xf32>,
      %gather3A_248 = tpu.vector_load_idx %arg9[%add3A_172, %broadcast_in_dim3A_246] : memref<512x32xf32, #tpu.memory_space<vmem>>[vector<16xi32>, vector<16xi32>], vector<16xf32>,
      %mul3A_249 = arith.mulf %gather3A_247, %gather3A_248 : vector<16xf32>
      %add3A_250 = arith.addf %add3A_244, %mul3A_249 : vector<16xf32>
      %broadcast_in_dim3A_251 = arith.constant 13 : i32
      %broadcast_in_dim3A_252 = vector.broadcast %broadcast_in_dim3A_251 : i32 to vector<16xi32>
      %gather3A_253 = tpu.vector_load_idx %arg8[%add3A_172, %broadcast_in_dim3A_252] : memref<512x32xf32, #tpu.memory_space<vmem>>[vector<16xi32>, vector<16xi32>], vector<16xf32>,
      %gather3A_254 = tpu.vector_load_idx %arg9[%add3A_172, %broadcast_in_dim3A_252] : memref<512x32xf32, #tpu.memory_space<vmem>>[vector<16xi32>, vector<16xi32>], vector<16xf32>,
      %mul3A_255 = arith.mulf %gather3A_253, %gather3A_254 : vector<16xf32>
      %add3A_256 = arith.addf %add3A_250, %mul3A_255 : vector<16xf32>
      %broadcast_in_dim3A_257 = arith.constant 14 : i32
      %broadcast_in_dim3A_258 = vector.broadcast %broadcast_in_dim3A_257 : i32 to vector<16xi32>
      %gather3A_259 = tpu.vector_load_idx %arg8[%add3A_172, %broadcast_in_dim3A_258] : memref<512x32xf32, #tpu.memory_space<vmem>>[vector<16xi32>, vector<16xi32>], vector<16xf32>,
      %gather3A_260 = tpu.vector_load_idx %arg9[%add3A_172, %broadcast_in_dim3A_258] : memref<512x32xf32, #tpu.memory_space<vmem>>[vector<16xi32>, vector<16xi32>], vector<16xf32>,
      %mul3A_261 = arith.mulf %gather3A_259, %gather3A_260 : vector<16xf32>
      %add3A_262 = arith.addf %add3A_256, %mul3A_261 : vector<16xf32>
      %broadcast_in_dim3A_263 = arith.constant 15 : i32
      %broadcast_in_dim3A_264 = vector.broadcast %broadcast_in_dim3A_263 : i32 to vector<16xi32>
      %gather3A_265 = tpu.vector_load_idx %arg8[%add3A_172, %broadcast_in_dim3A_264] : memref<512x32xf32, #tpu.memory_space<vmem>>[vector<16xi32>, vector<16xi32>], vector<16xf32>,
      %gather3A_266 = tpu.vector_load_idx %arg9[%add3A_172, %broadcast_in_dim3A_264] : memref<512x32xf32, #tpu.memory_space<vmem>>[vector<16xi32>, vector<16xi32>], vector<16xf32>,
      %mul3A_267 = arith.mulf %gather3A_265, %gather3A_266 : vector<16xf32>
      %add3A_268 = arith.addf %add3A_262, %mul3A_267 : vector<16xf32>
      %broadcast_in_dim3A_269 = arith.constant 16 : i32
      %broadcast_in_dim3A_270 = vector.broadcast %broadcast_in_dim3A_269 : i32 to vector<16xi32>
      %gather3A_271 = tpu.vector_load_idx %arg8[%add3A_172, %broadcast_in_dim3A_270] : memref<512x32xf32, #tpu.memory_space<vmem>>[vector<16xi32>, vector<16xi32>], vector<16xf32>,
      %gather3A_272 = tpu.vector_load_idx %arg9[%add3A_172, %broadcast_in_dim3A_270] : memref<512x32xf32, #tpu.memory_space<vmem>>[vector<16xi32>, vector<16xi32>], vector<16xf32>,
      %mul3A_273 = arith.mulf %gather3A_271, %gather3A_272 : vector<16xf32>
      %add3A_274 = arith.addf %add3A_268, %mul3A_273 : vector<16xf32>
      %broadcast_in_dim3A_275 = arith.constant 17 : i32
      %broadcast_in_dim3A_276 = vector.broadcast %broadcast_in_dim3A_275 : i32 to vector<16xi32>
      %gather3A_277 = tpu.vector_load_idx %arg8[%add3A_172, %broadcast_in_dim3A_276] : memref<512x32xf32, #tpu.memory_space<vmem>>[vector<16xi32>, vector<16xi32>], vector<16xf32>,
      %gather3A_278 = tpu.vector_load_idx %arg9[%add3A_172, %broadcast_in_dim3A_276] : memref<512x32xf32, #tpu.memory_space<vmem>>[vector<16xi32>, vector<16xi32>], vector<16xf32>,
      %mul3A_279 = arith.mulf %gather3A_277, %gather3A_278 : vector<16xf32>
      %add3A_280 = arith.addf %add3A_274, %mul3A_279 : vector<16xf32>
      %broadcast_in_dim3A_281 = arith.constant 18 : i32
      %broadcast_in_dim3A_282 = vector.broadcast %broadcast_in_dim3A_281 : i32 to vector<16xi32>
      %gather3A_283 = tpu.vector_load_idx %arg8[%add3A_172, %broadcast_in_dim3A_282] : memref<512x32xf32, #tpu.memory_space<vmem>>[vector<16xi32>, vector<16xi32>], vector<16xf32>,
      %gather3A_284 = tpu.vector_load_idx %arg9[%add3A_172, %broadcast_in_dim3A_282] : memref<512x32xf32, #tpu.memory_space<vmem>>[vector<16xi32>, vector<16xi32>], vector<16xf32>,
      %mul3A_285 = arith.mulf %gather3A_283, %gather3A_284 : vector<16xf32>
      %add3A_286 = arith.addf %add3A_280, %mul3A_285 : vector<16xf32>
      %broadcast_in_dim3A_287 = arith.constant 19 : i32
      %broadcast_in_dim3A_288 = vector.broadcast %broadcast_in_dim3A_287 : i32 to vector<16xi32>
      %gather3A_289 = tpu.vector_load_idx %arg8[%add3A_172, %broadcast_in_dim3A_288] : memref<512x32xf32, #tpu.memory_space<vmem>>[vector<16xi32>, vector<16xi32>], vector<16xf32>,
      %gather3A_290 = tpu.vector_load_idx %arg9[%add3A_172, %broadcast_in_dim3A_288] : memref<512x32xf32, #tpu.memory_space<vmem>>[vector<16xi32>, vector<16xi32>], vector<16xf32>,
      %mul3A_291 = arith.mulf %gather3A_289, %gather3A_290 : vector<16xf32>
      %add3A_292 = arith.addf %add3A_286, %mul3A_291 : vector<16xf32>
      %broadcast_in_dim3A_293 = arith.constant 20 : i32
      %broadcast_in_dim3A_294 = vector.broadcast %broadcast_in_dim3A_293 : i32 to vector<16xi32>
      %gather3A_295 = tpu.vector_load_idx %arg8[%add3A_172, %broadcast_in_dim3A_294] : memref<512x32xf32, #tpu.memory_space<vmem>>[vector<16xi32>, vector<16xi32>], vector<16xf32>,
      %gather3A_296 = tpu.vector_load_idx %arg9[%add3A_172, %broadcast_in_dim3A_294] : memref<512x32xf32, #tpu.memory_space<vmem>>[vector<16xi32>, vector<16xi32>], vector<16xf32>,
      %mul3A_297 = arith.mulf %gather3A_295, %gather3A_296 : vector<16xf32>
      %add3A_298 = arith.addf %add3A_292, %mul3A_297 : vector<16xf32>
      %broadcast_in_dim3A_299 = arith.constant 21 : i32
      %broadcast_in_dim3A_300 = vector.broadcast %broadcast_in_dim3A_299 : i32 to vector<16xi32>
      %gather3A_301 = tpu.vector_load_idx %arg8[%add3A_172, %broadcast_in_dim3A_300] : memref<512x32xf32, #tpu.memory_space<vmem>>[vector<16xi32>, vector<16xi32>], vector<16xf32>,
      %gather3A_302 = tpu.vector_load_idx %arg9[%add3A_172, %broadcast_in_dim3A_300] : memref<512x32xf32, #tpu.memory_space<vmem>>[vector<16xi32>, vector<16xi32>], vector<16xf32>,
      %mul3A_303 = arith.mulf %gather3A_301, %gather3A_302 : vector<16xf32>
      %add3A_304 = arith.addf %add3A_298, %mul3A_303 : vector<16xf32>
      %broadcast_in_dim3A_305 = arith.constant 22 : i32
      %broadcast_in_dim3A_306 = vector.broadcast %broadcast_in_dim3A_305 : i32 to vector<16xi32>
      %gather3A_307 = tpu.vector_load_idx %arg8[%add3A_172, %broadcast_in_dim3A_306] : memref<512x32xf32, #tpu.memory_space<vmem>>[vector<16xi32>, vector<16xi32>], vector<16xf32>,
      %gather3A_308 = tpu.vector_load_idx %arg9[%add3A_172, %broadcast_in_dim3A_306] : memref<512x32xf32, #tpu.memory_space<vmem>>[vector<16xi32>, vector<16xi32>], vector<16xf32>,
      %mul3A_309 = arith.mulf %gather3A_307, %gather3A_308 : vector<16xf32>
      %add3A_310 = arith.addf %add3A_304, %mul3A_309 : vector<16xf32>
      %broadcast_in_dim3A_311 = arith.constant 23 : i32
      %broadcast_in_dim3A_312 = vector.broadcast %broadcast_in_dim3A_311 : i32 to vector<16xi32>
      %gather3A_313 = tpu.vector_load_idx %arg8[%add3A_172, %broadcast_in_dim3A_312] : memref<512x32xf32, #tpu.memory_space<vmem>>[vector<16xi32>, vector<16xi32>], vector<16xf32>,
      %gather3A_314 = tpu.vector_load_idx %arg9[%add3A_172, %broadcast_in_dim3A_312] : memref<512x32xf32, #tpu.memory_space<vmem>>[vector<16xi32>, vector<16xi32>], vector<16xf32>,
      %mul3A_315 = arith.mulf %gather3A_313, %gather3A_314 : vector<16xf32>
      %add3A_316 = arith.addf %add3A_310, %mul3A_315 : vector<16xf32>
      %broadcast_in_dim3A_317 = arith.constant 24 : i32
      %broadcast_in_dim3A_318 = vector.broadcast %broadcast_in_dim3A_317 : i32 to vector<16xi32>
      %gather3A_319 = tpu.vector_load_idx %arg8[%add3A_172, %broadcast_in_dim3A_318] : memref<512x32xf32, #tpu.memory_space<vmem>>[vector<16xi32>, vector<16xi32>], vector<16xf32>,
      %gather3A_320 = tpu.vector_load_idx %arg9[%add3A_172, %broadcast_in_dim3A_318] : memref<512x32xf32, #tpu.memory_space<vmem>>[vector<16xi32>, vector<16xi32>], vector<16xf32>,
      %mul3A_321 = arith.mulf %gather3A_319, %gather3A_320 : vector<16xf32>
      %add3A_322 = arith.addf %add3A_316, %mul3A_321 : vector<16xf32>
      %broadcast_in_dim3A_323 = arith.constant 25 : i32
      %broadcast_in_dim3A_324 = vector.broadcast %broadcast_in_dim3A_323 : i32 to vector<16xi32>
      %gather3A_325 = tpu.vector_load_idx %arg8[%add3A_172, %broadcast_in_dim3A_324] : memref<512x32xf32, #tpu.memory_space<vmem>>[vector<16xi32>, vector<16xi32>], vector<16xf32>,
      %gather3A_326 = tpu.vector_load_idx %arg9[%add3A_172, %broadcast_in_dim3A_324] : memref<512x32xf32, #tpu.memory_space<vmem>>[vector<16xi32>, vector<16xi32>], vector<16xf32>,
      %mul3A_327 = arith.mulf %gather3A_325, %gather3A_326 : vector<16xf32>
      %add3A_328 = arith.addf %add3A_322, %mul3A_327 : vector<16xf32>
      %broadcast_in_dim3A_329 = arith.constant 26 : i32
      %broadcast_in_dim3A_330 = vector.broadcast %broadcast_in_dim3A_329 : i32 to vector<16xi32>
      %gather3A_331 = tpu.vector_load_idx %arg8[%add3A_172, %broadcast_in_dim3A_330] : memref<512x32xf32, #tpu.memory_space<vmem>>[vector<16xi32>, vector<16xi32>], vector<16xf32>,
      %gather3A_332 = tpu.vector_load_idx %arg9[%add3A_172, %broadcast_in_dim3A_330] : memref<512x32xf32, #tpu.memory_space<vmem>>[vector<16xi32>, vector<16xi32>], vector<16xf32>,
      %mul3A_333 = arith.mulf %gather3A_331, %gather3A_332 : vector<16xf32>
      %add3A_334 = arith.addf %add3A_328, %mul3A_333 : vector<16xf32>
      %broadcast_in_dim3A_335 = arith.constant 27 : i32
      %broadcast_in_dim3A_336 = vector.broadcast %broadcast_in_dim3A_335 : i32 to vector<16xi32>
      %gather3A_337 = tpu.vector_load_idx %arg8[%add3A_172, %broadcast_in_dim3A_336] : memref<512x32xf32, #tpu.memory_space<vmem>>[vector<16xi32>, vector<16xi32>], vector<16xf32>,
      %gather3A_338 = tpu.vector_load_idx %arg9[%add3A_172, %broadcast_in_dim3A_336] : memref<512x32xf32, #tpu.memory_space<vmem>>[vector<16xi32>, vector<16xi32>], vector<16xf32>,
      %mul3A_339 = arith.mulf %gather3A_337, %gather3A_338 : vector<16xf32>
      %add3A_340 = arith.addf %add3A_334, %mul3A_339 : vector<16xf32>
      %broadcast_in_dim3A_341 = arith.constant 28 : i32
      %broadcast_in_dim3A_342 = vector.broadcast %broadcast_in_dim3A_341 : i32 to vector<16xi32>
      %gather3A_343 = tpu.vector_load_idx %arg8[%add3A_172, %broadcast_in_dim3A_342] : memref<512x32xf32, #tpu.memory_space<vmem>>[vector<16xi32>, vector<16xi32>], vector<16xf32>,
      %gather3A_344 = tpu.vector_load_idx %arg9[%add3A_172, %broadcast_in_dim3A_342] : memref<512x32xf32, #tpu.memory_space<vmem>>[vector<16xi32>, vector<16xi32>], vector<16xf32>,
      %mul3A_345 = arith.mulf %gather3A_343, %gather3A_344 : vector<16xf32>
      %add3A_346 = arith.addf %add3A_340, %mul3A_345 : vector<16xf32>
      %broadcast_in_dim3A_347 = arith.constant 29 : i32
      %broadcast_in_dim3A_348 = vector.broadcast %broadcast_in_dim3A_347 : i32 to vector<16xi32>
      %gather3A_349 = tpu.vector_load_idx %arg8[%add3A_172, %broadcast_in_dim3A_348] : memref<512x32xf32, #tpu.memory_space<vmem>>[vector<16xi32>, vector<16xi32>], vector<16xf32>,
      %gather3A_350 = tpu.vector_load_idx %arg9[%add3A_172, %broadcast_in_dim3A_348] : memref<512x32xf32, #tpu.memory_space<vmem>>[vector<16xi32>, vector<16xi32>], vector<16xf32>,
      %mul3A_351 = arith.mulf %gather3A_349, %gather3A_350 : vector<16xf32>
      %add3A_352 = arith.addf %add3A_346, %mul3A_351 : vector<16xf32>
      %broadcast_in_dim3A_353 = arith.constant 30 : i32
      %broadcast_in_dim3A_354 = vector.broadcast %broadcast_in_dim3A_353 : i32 to vector<16xi32>
      %gather3A_355 = tpu.vector_load_idx %arg8[%add3A_172, %broadcast_in_dim3A_354] : memref<512x32xf32, #tpu.memory_space<vmem>>[vector<16xi32>, vector<16xi32>], vector<16xf32>,
      %gather3A_356 = tpu.vector_load_idx %arg9[%add3A_172, %broadcast_in_dim3A_354] : memref<512x32xf32, #tpu.memory_space<vmem>>[vector<16xi32>, vector<16xi32>], vector<16xf32>,
      %mul3A_357 = arith.mulf %gather3A_355, %gather3A_356 : vector<16xf32>
      %add3A_358 = arith.addf %add3A_352, %mul3A_357 : vector<16xf32>
      %broadcast_in_dim3A_359 = arith.constant 31 : i32
      %broadcast_in_dim3A_360 = vector.broadcast %broadcast_in_dim3A_359 : i32 to vector<16xi32>
      %gather3A_361 = tpu.vector_load_idx %arg8[%add3A_172, %broadcast_in_dim3A_360] : memref<512x32xf32, #tpu.memory_space<vmem>>[vector<16xi32>, vector<16xi32>], vector<16xf32>,
      %gather3A_362 = tpu.vector_load_idx %arg9[%add3A_172, %broadcast_in_dim3A_360] : memref<512x32xf32, #tpu.memory_space<vmem>>[vector<16xi32>, vector<16xi32>], vector<16xf32>,
      %mul3A_363 = arith.mulf %gather3A_361, %gather3A_362 : vector<16xf32>
      %add3A_364 = arith.addf %add3A_358, %mul3A_363 : vector<16xf32>
      %mul3A_365 = arith.constant 16 : i32
      %mul3A_366 = arith.muli %scan3A_168, %mul3A_365 : i32
      %swap3A = arith.index_cast %mul3A_366 : i32 to index
      %swap3A_367 = tpu.vector_load %arg10[%swap3A] {strides = array<i32>} : memref<512xf32, #tpu.memory_space<vmem>>, vector<16xf32>,
      tpu.vector_store %arg10[%swap3A], %add3A_364 {strides = array<i32>} : memref<512xf32, #tpu.memory_space<vmem>>, vector<16xf32>,
    }
    %scan3A_165 = arith.constant 32 : i32
    %mul3A_166 = arith.constant 512 : i32
    %mul3A_167 = arith.muli %add3A, %mul3A_166 : i32
    "tpu.region"() ({
      %run_scoped3A = tpu.sem_alloc : memref<!tpu.dma_semaphore, #tpu.memory_space<semaphore_mem>>
      %dma_start3A_168 = tpu.memref_slice %arg5[%mul3A_167] : memref<16384xf32, #tpu.memory_space<hbm>> -> memref<512xf32, #tpu.memory_space<hbm>>
      %dma_start3A_169 = tpu.memref_slice %arg5[%mul3A_167] : memref<16384xf32, #tpu.memory_space<hbm>> -> memref<512xf32, #tpu.memory_space<hbm>>
      tpu.enqueue_dma source(%arg10 : memref<512xf32, #tpu.memory_space<vmem>>) target(%dma_start3A_169 : memref<512xf32, #tpu.memory_space<hbm>>) target_semaphore(%run_scoped3A : memref<!tpu.dma_semaphore, #tpu.memory_space<semaphore_mem>>)
      %dma_wait3A_170 = tpu.memref_slice %arg5[%mul3A_167] : memref<16384xf32, #tpu.memory_space<hbm>> -> memref<512xf32, #tpu.memory_space<hbm>>
      %dma_wait3A_171 = tpu.memref_slice %arg5[%mul3A_167] : memref<16384xf32, #tpu.memory_space<hbm>> -> memref<512xf32, #tpu.memory_space<hbm>>
      tpu.wait_dma2 semaphore(%run_scoped3A : memref<!tpu.dma_semaphore, #tpu.memory_space<semaphore_mem>>) src(%arg10 : memref<512xf32, #tpu.memory_space<vmem>>) dst(%dma_wait3A_171 : memref<512xf32, #tpu.memory_space<hbm>>)
      tpu.yield
    }) : () -> ()
    return
  }
}

</mosaic_0001>

<sc_bundles>
// kernel: kernel.3.cloned.1.call-start
scs
__scs_entry_jumppad:
0x0: {  	(pc) =	sbr.rel $0x88, $3  }
0x1: {  	(tag) =	ssettag $0x0;
	lr =	simm.s32 $0x1  }
0x2: {  	[smem:$0x3F9E] =	sst lr;
	_ =	strace $0xD0000000  }
0x3: {  	_ = 	snop  }
0x4: {  	_ = 	snop  }
0x5: {  	_ = 	snop  }
0x6: {  	_ = 	snop  }
0x7: {  	_ = 	snop  }
__scs_overlays_trampoline_lowered:
0x8: {  	[smem:$0x3FAD] =	sst s0  }
0x9: {  	[smem:$0x3FAE] =	sst s1  }
0xa: {  	[smem:$0x3FAF] =	sst s2  }
0xb: {  	[smem:$0x3FB0] =	sst s3  }
0xc: {  	[smem:$0x3FB1] =	sst s4  }
0xd: {  	[smem:$0x3FB2] =	sst s5  }
0xe: {  	[smem:$0x3FB3] =	sst s6  }
0xf: {  	[smem:$0x3FB4] =	sst s7  }
0x10: {  	[smem:$0x3FB5] =	sst s8  }
0x11: {  	[smem:$0x3FB6] =	sst s9;
	s0 =	simm.s32 @!p0 $0x0  }
0x12: {  	s1 =	sld [smem:$0x3F9C];
	s0 =	simm.s32 @p0 $0x1  }
0x13: {  	[smem:$0x3FB7] =	sst s0;
	s0 =	simm.s32 @!p1 $0x0  }
0x14: {  	s2 =	sld [smem:$0x3F9B];
	s0 =	simm.s32 @p1 $0x1  }
0x15: {  	[smem:$0x3FB8] =	sst s0;
	s0 =	simm.s32 @!p2 $0x0  }
0x16: {  	s3 =	sld [smem:$0x3FDB];
	s0 =	simm.s32 @p2 $0x1  }
0x17: {  	s4 =	simm.s32 $0x1BF5;
	[smem:$0x3FBA] =	sst s0  }
0x18: {  	s0 =	sld [smem:$0x3F9D];
	_ =	swait.ge [sflag:s4], $0x0  }
0x19: {  	s7 =	sld [smem:$0x3F9E]  }
0x1a: {  	s8 =	sadd.s32 $0xFFFFE003, lr  }
0x1b: {  	s9 =	sadd.s32 $0xFFFFFEF7, lr;
	s5 =	simm.s32 $0xFFFFFFFF;
	p2 =	slt.u32 s8, $0xFFFFF086  }
0x1c: {  	p1 =	slt.u32 s9, $0xF7A;
	s5 =	simm.s32 @!p2 $0x0  }
0x1d: {  	s5 =	simm.s32 @p1 $0x1;
	p0 =	seq.s32 s7, s2  }
0x1e: {  	s7 =	smul.u32 @!p0 $0xF7A, s2;
	p2 =	seq.s32 @!p0 s5, $0x0  }
0x1f: {  	s9 =	smul.u32 $0xF7A, s1;
	s8 =	simm.s32 @!p0 $0x1BF5;
	p2 =	por !p2, p0  }
0x20: {  	[sflag:s8] =	ssyncset.s32 @!p0 $0xFFFFF086;
	s6 =	sadd.s32 @!p0 s3, s7;
	s7 =	simm.s32 @!p0 $0x108  }
0x21: {  	s3 =	sadd.s32 s3, s9;
	s6 =	sadd.s32 @!p0 $0x88, s6;
	s7 =	simm.s32 @p2 $0x1082  }
0x22: {  	[simem:s7], [sflag:s8] =	dma.local @!p0 [hbm:s6], $0xF7A  }
0x23: {  	s9 =	sor.u32 $0xD0000000, s2;
	s6 =	simm.s32 $0x108;
	_ =	swait.ge @!p0 [sflag:s8], $0x0  }
0x24: {  	s3 =	sadd.s32 $0x88, s3;
	s6 =	simm.s32 @!p1 $0x1082;
	[sflag:s4] =	ssyncset.s32 $0xFFFFF086  }
0x25: {  	[simem:s6], [sflag:s4] =	dma.local [hbm:s3], $0xF7A  }
0x26: {  	[smem:$0x3F9E] =	sst s1;
	(tag) =	ssettag s2;
	_ =	strace s9  }
0x27: {  	s1 =	sld [smem:$0x3FAE]  }
0x28: {  	s2 =	sld [smem:$0x3FAF]  }
0x29: {  	s4 =	sld [smem:$0x3FB1]  }
0x2a: {  	p0 =	seq.s32 s5, $0x0;
	s5 =	sld [smem:$0x3FB2]  }
0x2b: {  	s6 =	sld [smem:$0x3FB3]  }
0x2c: {  	s7 =	sld [smem:$0x3FB4]  }
0x2d: {  	s3 =	simm.s32 $0x108;
	s8 =	sld [smem:$0x3FB5]  }
0x2e: {  	s3 =	simm.s32 @!p0 $0x1082;
	s9 =	sld [smem:$0x3FB6]  }
0x2f: {  	lr =	sadd.s32 s0, s3;
	s0 =	sld [smem:$0x3FAD]  }
0x30: {  	s3 =	sld [smem:$0x3FB0]  }
0x31: {  	[smem:$0x3FB9] =	sst s10  }
0x32: {  	s10 =	sld [smem:$0x3FB7];
	_ =	sdelay $0x3  }
0x33: {  	p0 =	seq.s32 s10, $0x1;
	s10 =	sld [smem:$0x3FB9];
	_ =	sdelay $0x3  }
0x34: {  	[smem:$0x3FB9] =	sst s10  }
0x35: {  	s10 =	sld [smem:$0x3FB8];
	_ =	sdelay $0x3  }
0x36: {  	p1 =	seq.s32 s10, $0x1;
	s10 =	sld [smem:$0x3FB9];
	_ =	sdelay $0x3  }
0x37: {  	[smem:$0x3FB9] =	sst s10  }
0x38: {  	s10 =	sld [smem:$0x3FBA]  }
0x39: {  	_ = 	snop;
	(pc) =	sbr.ind lr, $3  }
0x3a: {  	_ = 	snop  }
0x3b: {  	_ = 	snop  }
0x3c: {  	p2 =	seq.s32 s10, $0x1;
	s10 =	sld [smem:$0x3FB9]  }
0x3d: {  	_ =	shalt  }
0x3e: {  	_ =	shalt  }
0x3f: {  	_ =	shalt  }
0x40: {  	_ =	shalt  }
0x41: {  	_ =	shalt  }
0x42: {  	_ =	shalt  }
0x43: {  	_ =	shalt  }
0x44: {  	_ =	shalt  }
0x45: {  	_ =	shalt  }
0x46: {  	_ =	shalt  }
0x47: {  	_ =	shalt  }
0x48: {  	_ =	shalt  }
0x49: {  	_ =	shalt  }
0x4a: {  	_ =	shalt  }
0x4b: {  	_ =	shalt  }
0x4c: {  	_ =	shalt  }
0x4d: {  	_ =	shalt  }
0x4e: {  	_ =	shalt  }
0x4f: {  	_ =	shalt  }
0x50: {  	_ =	shalt  }
0x51: {  	_ =	shalt  }
0x52: {  	_ =	shalt  }
0x53: {  	_ =	shalt  }
0x54: {  	_ =	shalt  }
0x55: {  	_ =	shalt  }
0x56: {  	_ =	shalt  }
0x57: {  	_ =	shalt  }
0x58: {  	_ =	shalt  }
0x59: {  	_ =	shalt  }
0x5a: {  	_ =	shalt  }
0x5b: {  	_ =	shalt  }
0x5c: {  	_ =	shalt  }
0x5d: {  	_ =	shalt  }
0x5e: {  	_ =	shalt  }
0x5f: {  	_ =	shalt  }
0x60: {  	_ =	shalt  }
0x61: {  	_ =	shalt  }
0x62: {  	_ =	shalt  }
0x63: {  	_ =	shalt  }
0x64: {  	_ =	shalt  }
0x65: {  	_ =	shalt  }
0x66: {  	_ =	shalt  }
0x67: {  	_ =	shalt  }
0x68: {  	_ =	shalt  }
0x69: {  	_ =	shalt  }
0x6a: {  	_ =	shalt  }
0x6b: {  	_ =	shalt  }
0x6c: {  	_ =	shalt  }
0x6d: {  	_ =	shalt  }
0x6e: {  	_ =	shalt  }
0x6f: {  	_ =	shalt  }
0x70: {  	_ =	shalt  }
0x71: {  	_ =	shalt  }
0x72: {  	_ =	shalt  }
0x73: {  	_ =	shalt  }
0x74: {  	_ =	shalt  }
0x75: {  	_ =	shalt  }
0x76: {  	_ =	shalt  }
0x77: {  	_ =	shalt  }
0x78: {  	_ =	shalt  }
0x79: {  	_ =	shalt  }
0x7a: {  	_ =	shalt  }
0x7b: {  	_ =	shalt  }
0x7c: {  	_ =	shalt  }
0x7d: {  	_ =	shalt  }
0x7e: {  	_ =	shalt  }
0x7f: {  	_ =	shalt  }
0x80: {  	_ =	shalt  }
0x81: {  	_ =	shalt  }
0x82: {  	_ =	shalt  }
0x83: {  	_ =	shalt  }
0x84: {  	_ =	shalt  }
0x85: {  	_ =	shalt  }
0x86: {  	_ =	shalt  }
0x87: {  	_ =	shalt  }
.Lfunc_end0:
.L_simem_size_0:
called_computation_lowered:
.L_overlay_start_0:
0x88: {  	s2 =	sld [smem:$0x3FD9]  }
0x89: {  	s3 =	sld [smem:$0x3FFE];
	_ =	sdelay $0x1  }
0x8a: {  	s1 =	srdreg.scid  }
0x8b: {  	s0 =	sand.u32 $0x1, s1  }
0x8c: {  	s17 =	sshll.u32 s0, $0xA;
	s2 =	sadd.s32 s3, s2  }
0x8d: {  	s2 =	sadd.s32 s2, s17  }
0x8e: {  	[smem:$0x3FC5] =	sst s2  }
0x8f: {  	_ = 	snop  }
0x90: {  	s2 =	sld [smem:$0x3FC9]  }
0x91: {  	s18 =	sld [smem:$0x3FD0];
	(tm) =	ssettm $0x1  }
0x92: {  	s4 =	sld [smem:$0x3FFB];
	_ =	sdelay $0x3  }
0x93: {  	_ =	strace s4  }
0x94: {  	s4 =	sld [smem:$0x3FFC];
	_ =	sdelay $0x3  }
0x95: {  	_ =	strace s4  }
0x96: {  	s4 =	sld [smem:$0x3FFD];
	_ =	sdelay $0x3  }
0x97: {  	_ =	strace s4  }
0x98: {  	_ =	strace $0x8FFFFFFF  }
0x99: {  	s19 =	sld [smem:$0x3FDB];
	_ =	sdelay $0x1  }
0x9a: {  	s5 =	simm.s32 $_scs_section_size  }
0x9b: {  	s6 =	simm.s32 $_size__tile_overlayer_lowered;
	s7 =	simm.s32 $_tile_overlayer_lowered  }
0x9c: {  	s22 =	simm.s32 $0x1BFF;
	s21 =	sshll.u32 s7, $0x1;
	s4 =	sadd.s32 s5, s19  }
0x9d: {  	s8 =	simm.s32 $0x0;
	s20 =	sshll.u32 s6, $0x1;
	s6 =	sadd.s32 s21, s4  }
0x9e: {  	[timem:s8], [sflag:s22] =	dma.local [hbm:s6], s20  }
0x9f: {  	_ =	swait.ge [sflag:s22], s20  }
0xa0: {  	s5 =	ssub.s32 $0x0, s20;
	[sflag:s22] =	ssyncset.done $0x0  }
0xa1: {  	[sflag:s22] =	ssyncadd.s32 s5;
	_ =	sdelay $0x1  }
0xa2: {  	s23 =	simm.s32 $0x1B8B  }
0xa3: {  	_ =	swait.ge [sflag:s23], $0x1  }
0xa4: {  	[sflag:s23] =	ssyncset.done $0x0  }
0xa5: {  	s25 =	simm.s32 $0x1B8E;
	s24 =	sld [smem:$0x3FFE];
	[sflag:s23] =	ssyncadd.s32 $0xFFFFFFFF  }
0xa6: {  	s26 =	simm.s32 $execute0_lowered;
	[smem:$0x3FD2] =	sst s25  }
0xa7: {  	s6 =	sshll.u32 s26, $0x1;
	_ =	strace $0x80000046;
	[dreg:$0x1] =	wrdreg $0xFFFFFFFF  }
0xa8: {  	s28 =	simm.s32 $_size_execute0_lowered;
	s4 =	sadd.s32 s4, s6;
	[dreg:$0x0] =	wrdreg $0x0  }
0xa9: {  	s6 =	sshll.u32 s28, $0x1;
	[dreg:$0x2] =	wrdreg s4  }
0xaa: {  	[dreg:$0x3] =	wrdreg s6  }
0xab: {  	[dreg:$0x4] =	wrdreg $0xC0  }
0xac: {  	_ =	task [dreg:s8], $0x5FFFF  }
0xad: {  	[dreg:$0x1] =	wrdreg $0xFFFFFFFF  }
0xae: {  	[dreg:$0x0] =	wrdreg $0x60  }
0xaf: {  	[dreg:$0x2] =	wrdreg s24  }
0xb0: {  	[dreg:$0x3] =	wrdreg s2  }
0xb1: {  	[dreg:$0x4] =	wrdreg s18  }
0xb2: {  	[dreg:$0x5] =	wrdreg $0x9  }
0xb3: {  	_ =	task.clear_ibuf [dreg:s8], $0x6FFFF;
	_ =	strace $0x90000046  }
0xb4: {  	s29 =	simm.s32 $0x9;
	_ =	strace $0x80000048  }
0xb5: {  	_ =	swait.ge [sflag:s29], $0x1  }
0xb6: {  	[sflag:s29] =	ssyncadd.s32 $0xFFFFFFFF  }
0xb7: {  	_ =	strace $0x90000048  }
0xb8: {  	_ =	sfence  }
0xb9: {  	s30 =	sld [smem:$0x0];
	_ =	sdelay $0x2  }
0xba: {  	s31 =	sshll.u32 s1, $0xD;
	s1 =	sshrl.u32 s1, $0x2  }
0xbb: {  	s3 =	sand.u32 $0x4000, s31;
	s1 =	sadd.s32 s1, s30  }
0xbc: {  	s0 =	sor.u32 s3, s0;
	s1 =	sshll.u32 s1, $0x11  }
0xbd: {  	s0 =	sor.u32 s1, s0  }
0xbe: {  	s0 =	sadd.s32 $0x8F2B, s0  }
0xbf: {  	[sflag:s0] =	ssyncadd.remote.s32 $0x1  }
0xc0: {  	_ =	sfence.sel $0xFFFF  }
0xc1: {  	[dreg:$0x0] =	wrdreg $0xFFFFFFFF;
	(pc) =	sbr.abs _section_cstart, $3  }
0xc2: {  	[dreg:$0x1] =	wrdreg $0xFFFFFFFF  }
0xc3: {  	_ =	task.clear_ibuf [dreg:s8], $0x2FFFF;
	_ =	strace $0x9FFFFFFF  }
0xc4: {  	(tm) =	ssettm $0x7FFFFFFF  }
0xc5: {  	_ =	shalt  }
tec
execute0_lowered:
.L_overlay_start_1:
0x0: {  	(tag) =	ssettag $0x1  }
0x1: {  	s4 =	rddreg [dreg:$0x0]  }
0x2: {  	s5 =	rddreg [dreg:$0x1]  }
0x3: {  	s6 =	rddreg [dreg:$0x2]  }
0x4: {  	s0 =	rddreg [dreg:$0x3];
	s3 =	srdreg.scid  }
0x5: {  	s2 =	simm.s32 $0x0;
	s1 =	stileid.u32;
	s10 =	simm.s32 $0x80  }
0x6: {  	s11 =	simm.s32 $0x400;
	s12 =	simm.s32 $0x4400;
	s13 =	simm.s32 $0x1400  }
0x7: {  	s14 =	simm.s32 $0x280;
	s15 =	simm.s32 $0x5400;
	s16 =	simm.s32 $0x100  }
0x8: {  	s17 =	simm.s32 $0x2400;
	s18 =	simm.s32 $0x300;
	s19 =	simm.s32 $0x6400  }
0x9: {  	s20 =	simm.s32 $0x180;
	s21 =	simm.s32 $0x3400;
	s22 =	simm.s32 $0x380  }
0xa: {  	s23 =	simm.s32 $0x7400;
	s24 =	simm.s32 $0x1;
	s25 =	simm.s32 $0x8400  }
0xb: {  	s26 =	simm.s32 $0x0;
	s3 =	sand.u32 $0x1, s3;
	[smem:$0x7FF] =	sst s2  }
0xc: {  	s7 =	sshll.u32 s1, $0x7;
	s8 =	sshll.u32 s3, $0x6;
	s30 =	ssub.s32 $0x2, s3  }
0xd: {  	_ =	strace $0x80000047;
	s7 =	sor.u32 s8, s7;
	s31 =	sshrl.u32 s30, $0x1  }
0xe: {  	v0 =	vlaneseq.u32;
	s3 =	sadd.s32 $0xF42A00, s4;
	s9 =	sadd.s32 s7, s4;
	s8 =	ssub.s32 s30, s31  }
0xf: {  	v0 =	vmul.u32 $0x20, v0;
	s4 =	sadd.s32 s5, s7;
	s6 =	sadd.s32 s6, s7;
	s5 =	sadd.s32 $0x600, s9  }
0x10: {  	s7 =	smax.u32 s8, $0x1;
	s8 =	simm.s32 $0x2;
	s9 =	simm.s32 $0x200  }
.LBB2_1:
0x11: {  	[tilespmem:s2], [sflag:$0x2] =	stream.linear.gather [hbm4b:s4+s2], $0x200, $0x38;
	[tilespmem:$0x8600] =	vst v63  }
0x12: {  	_ =	swait.ge [sflag:s8], $0x200  }
0x13: {  	[sflag:s8] =	ssyncset.done $0x0  }
0x14: {  	[sflag:s8] =	ssyncadd.s32 $0xFFFFFE00  }
0x15: {  	[tilespmem:s9], [sflag:$0x2] =	stream.linear.gather [hbm4b:s5+s2], $0x200, $0x38;
	[tilespmem:$0x8600] =	vst v63  }
0x16: {  	_ =	swait.ge [sflag:s8], $0x200  }
0x17: {  	[sflag:s8] =	ssyncset.done $0x0  }
0x18: {  	[sflag:s8] =	ssyncadd.s32 $0xFFFFFE00  }
0x19: {  	[tilespmem:s11], [sflag:$0x1] =	stream.indirect.gather [hbm4b:s3+s10], $0x20, s2, s10, $0xb8;
	[tilespmem:$0x8600] =	vst v63  }
0x1a: {  	_ = 	snop  }
0x1b: {  	[tilespmem:s12], [sflag:$0x1] =	stream.indirect.gather [hbm4b:s3+s10], $0x20, s9, s10, $0xb8;
	[tilespmem:$0x8600] =	vst v63  }
0x1c: {  	_ = 	snop  }
0x1d: {  	[tilespmem:s13], [sflag:$0x1] =	stream.indirect.gather [hbm4b:s3+s10], $0x20, s10, s10, $0xb8;
	[tilespmem:$0x8600] =	vst v63  }
0x1e: {  	_ = 	snop  }
0x1f: {  	[tilespmem:s15], [sflag:$0x1] =	stream.indirect.gather [hbm4b:s3+s10], $0x20, s14, s10, $0xb8;
	[tilespmem:$0x8600] =	vst v63  }
0x20: {  	_ = 	snop  }
0x21: {  	[tilespmem:s17], [sflag:$0x1] =	stream.indirect.gather [hbm4b:s3+s10], $0x20, s16, s10, $0xb8;
	[tilespmem:$0x8600] =	vst v63  }
0x22: {  	_ = 	snop  }
0x23: {  	[tilespmem:s19], [sflag:$0x1] =	stream.indirect.gather [hbm4b:s3+s10], $0x20, s18, s10, $0xb8;
	[tilespmem:$0x8600] =	vst v63  }
0x24: {  	_ = 	snop  }
0x25: {  	[tilespmem:s21], [sflag:$0x1] =	stream.indirect.gather [hbm4b:s3+s10], $0x20, s20, s10, $0xb8;
	[tilespmem:$0x8600] =	vst v63  }
0x26: {  	_ = 	snop  }
0x27: {  	[tilespmem:s23], [sflag:$0x1] =	stream.indirect.gather [hbm4b:s3+s10], $0x20, s22, s10, $0xb8;
	[tilespmem:$0x8600] =	vst v63  }
0x28: {  	_ =	swait.ge [sflag:s24], $0x1000  }
0x29: {  	[sflag:s24] =	ssyncset.done $0x0  }
0x2a: {  	[sflag:s24] =	ssyncadd.s32 $0xFFFFF000  }
0x2b: {  	_ =	swait.ge [sflag:s24], $0x1000  }
0x2c: {  	[sflag:s24] =	ssyncset.done $0x0  }
0x2d: {  	[sflag:s24] =	ssyncadd.s32 $0xFFFFF000  }
0x2e: {  	_ =	swait.ge [sflag:s24], $0x1000  }
0x2f: {  	[sflag:s24] =	ssyncset.done $0x0  }
0x30: {  	[sflag:s24] =	ssyncadd.s32 $0xFFFFF000  }
0x31: {  	_ =	swait.ge [sflag:s24], $0x1000  }
0x32: {  	[sflag:s24] =	ssyncset.done $0x0  }
0x33: {  	[sflag:s24] =	ssyncadd.s32 $0xFFFFF000  }
0x34: {  	_ =	swait.ge [sflag:s24], $0x1000  }
0x35: {  	[sflag:s24] =	ssyncset.done $0x0  }
0x36: {  	[sflag:s24] =	ssyncadd.s32 $0xFFFFF000  }
0x37: {  	_ =	swait.ge [sflag:s24], $0x1000  }
0x38: {  	[sflag:s24] =	ssyncset.done $0x0  }
0x39: {  	v1 =	vmov s2;
	[sflag:s24] =	ssyncadd.s32 $0xFFFFF000  }
0x3a: {  	v1 =	vshll.u32 v1, $0x5;
	_ =	swait.ge [sflag:s24], $0x1000  }
0x3b: {  	v1 =	vor.u32 v0, v1;
	[sflag:s24] =	ssyncset.done $0x0  }
0x3c: {  	[sflag:s24] =	ssyncadd.s32 $0xFFFFF000  }
0x3d: {  	v2 =	vor.u32 $0x1, v1;
	_ =	swait.ge [sflag:s24], $0x1000  }
0x3e: {  	[sflag:s24] =	ssyncset.done $0x0  }
0x3f: {  	v3 =	vor.u32 $0x2, v1;
	[sflag:s24] =	ssyncadd.s32 $0xFFFFF000  }
0x40: {  	v4 =	vld.idx.msk [tilespmem:v1+s12+$0x0], $0xffff  }
0x41: {  	v6 =	vor.u32 $0x3, v1;
	v5 =	vld.idx.msk [tilespmem:v1+s11+$0x0], $0xffff  }
0x42: {  	v7 =	vld.idx.msk [tilespmem:v2+s11+$0x0], $0xffff  }
0x43: {  	v8 =	vor.u32 $0x4, v1;
	v2 =	vld.idx.msk [tilespmem:v2+s12+$0x0], $0xffff  }
0x44: {  	v9 =	vld.idx.msk [tilespmem:v3+s11+$0x0], $0xffff  }
0x45: {  	v10 =	vor.u32 $0x5, v1;
	v3 =	vld.idx.msk [tilespmem:v3+s12+$0x0], $0xffff  }
0x46: {  	v11 =	vld.idx.msk [tilespmem:v6+s11+$0x0], $0xffff;
	v4 =	vmul.f32 v4, v5  }
0x47: {  	v5 =	vld.idx.msk [tilespmem:v6+s12+$0x0], $0xffff;
	v6 =	vor.u32 $0x6, v1  }
0x48: {  	v12 =	vld.idx.msk [tilespmem:v8+s11+$0x0], $0xffff;
	v2 =	vmul.f32 v2, v7;
	v4 =	vadd.f32 $0.0e+00, v4  }
0x49: {  	v25 =	vor.u32 $0x7, v1;
	v7 =	vld.idx.msk [tilespmem:v8+s12+$0x0], $0xffff  }
0x4a: {  	v13 =	vld.idx.msk [tilespmem:v10+s11+$0x0], $0xffff;
	v3 =	vmul.f32 v3, v9;
	v2 =	vadd.f32 v2, v4  }
0x4b: {  	v26 =	vor.u32 $0x8, v1;
	v4 =	vld.idx.msk [tilespmem:v10+s12+$0x0], $0xffff  }
0x4c: {  	v27 =	vld.idx.msk [tilespmem:v6+s11+$0x0], $0xffff;
	v2 =	vadd.f32 v3, v2;
	v3 =	vmul.f32 v5, v11  }
0x4d: {  	v5 =	vld.idx.msk [tilespmem:v6+s12+$0x0], $0xffff;
	v6 =	vor.u32 $0x9, v1  }
0x4e: {  	v28 =	vld.idx.msk [tilespmem:v25+s11+$0x0], $0xffff;
	v2 =	vadd.f32 v3, v2;
	v3 =	vmul.f32 v7, v12  }
0x4f: {  	v29 =	vor.u32 $0xA, v1;
	v7 =	vld.idx.msk [tilespmem:v25+s12+$0x0], $0xffff  }
0x50: {  	v30 =	vld.idx.msk [tilespmem:v26+s11+$0x0], $0xffff;
	v2 =	vadd.f32 v3, v2;
	v3 =	vmul.f32 v4, v13  }
0x51: {  	v31 =	vor.u32 $0xB, v1;
	v4 =	vld.idx.msk [tilespmem:v26+s12+$0x0], $0xffff  }
0x52: {  	v32 =	vld.idx.msk [tilespmem:v6+s11+$0x0], $0xffff;
	v2 =	vadd.f32 v3, v2;
	v3 =	vmul.f32 v5, v27  }
0x53: {  	v5 =	vld.idx.msk [tilespmem:v6+s12+$0x0], $0xffff;
	v6 =	vor.u32 $0xC, v1  }
0x54: {  	v33 =	vld.idx.msk [tilespmem:v29+s11+$0x0], $0xffff;
	v2 =	vadd.f32 v3, v2;
	v3 =	vmul.f32 v7, v28  }
0x55: {  	v34 =	vor.u32 $0xD, v1;
	v7 =	vld.idx.msk [tilespmem:v29+s12+$0x0], $0xffff  }
0x56: {  	v35 =	vld.idx.msk [tilespmem:v31+s11+$0x0], $0xffff;
	v2 =	vadd.f32 v3, v2;
	v3 =	vmul.f32 v4, v30  }
0x57: {  	v36 =	vor.u32 $0xE, v1;
	v4 =	vld.idx.msk [tilespmem:v31+s12+$0x0], $0xffff  }
0x58: {  	v37 =	vld.idx.msk [tilespmem:v6+s11+$0x0], $0xffff;
	v2 =	vadd.f32 v3, v2;
	v3 =	vmul.f32 v5, v32  }
0x59: {  	v5 =	vld.idx.msk [tilespmem:v6+s12+$0x0], $0xffff;
	v6 =	vor.u32 $0xF, v1  }
0x5a: {  	v38 =	vld.idx.msk [tilespmem:v34+s11+$0x0], $0xffff;
	v2 =	vadd.f32 v3, v2;
	v3 =	vmul.f32 v7, v33  }
0x5b: {  	v39 =	vor.u32 $0x10, v1;
	v7 =	vld.idx.msk [tilespmem:v34+s12+$0x0], $0xffff  }
0x5c: {  	v40 =	vld.idx.msk [tilespmem:v36+s11+$0x0], $0xffff;
	v2 =	vadd.f32 v3, v2;
	v3 =	vmul.f32 v4, v35  }
0x5d: {  	v41 =	vor.u32 $0x11, v1;
	v4 =	vld.idx.msk [tilespmem:v36+s12+$0x0], $0xffff  }
0x5e: {  	v42 =	vld.idx.msk [tilespmem:v6+s11+$0x0], $0xffff;
	v2 =	vadd.f32 v3, v2;
	v3 =	vmul.f32 v5, v37  }
0x5f: {  	v5 =	vld.idx.msk [tilespmem:v6+s12+$0x0], $0xffff;
	v6 =	vor.u32 $0x12, v1  }
0x60: {  	v43 =	vld.idx.msk [tilespmem:v39+s11+$0x0], $0xffff;
	v2 =	vadd.f32 v3, v2;
	v3 =	vmul.f32 v7, v38  }
0x61: {  	v44 =	vor.u32 $0x13, v1;
	v7 =	vld.idx.msk [tilespmem:v39+s12+$0x0], $0xffff  }
0x62: {  	v45 =	vld.idx.msk [tilespmem:v41+s11+$0x0], $0xffff;
	v2 =	vadd.f32 v3, v2;
	v3 =	vmul.f32 v4, v40  }
0x63: {  	v46 =	vor.u32 $0x14, v1;
	v4 =	vld.idx.msk [tilespmem:v41+s12+$0x0], $0xffff  }
0x64: {  	v47 =	vld.idx.msk [tilespmem:v6+s11+$0x0], $0xffff;
	v2 =	vadd.f32 v3, v2;
	v3 =	vmul.f32 v5, v42  }
0x65: {  	v5 =	vld.idx.msk [tilespmem:v6+s12+$0x0], $0xffff;
	v6 =	vor.u32 $0x15, v1  }
0x66: {  	v48 =	vld.idx.msk [tilespmem:v44+s11+$0x0], $0xffff;
	v2 =	vadd.f32 v3, v2;
	v3 =	vmul.f32 v7, v43  }
0x67: {  	v49 =	vor.u32 $0x16, v1;
	v7 =	vld.idx.msk [tilespmem:v44+s12+$0x0], $0xffff  }
0x68: {  	v50 =	vld.idx.msk [tilespmem:v46+s11+$0x0], $0xffff;
	v2 =	vadd.f32 v3, v2;
	v3 =	vmul.f32 v4, v45  }
0x69: {  	v51 =	vor.u32 $0x17, v1;
	v4 =	vld.idx.msk [tilespmem:v46+s12+$0x0], $0xffff  }
0x6a: {  	v52 =	vld.idx.msk [tilespmem:v6+s11+$0x0], $0xffff;
	v2 =	vadd.f32 v3, v2;
	v3 =	vmul.f32 v5, v47  }
0x6b: {  	v5 =	vld.idx.msk [tilespmem:v6+s12+$0x0], $0xffff;
	v6 =	vor.u32 $0x18, v1  }
0x6c: {  	v53 =	vld.idx.msk [tilespmem:v49+s11+$0x0], $0xffff;
	v2 =	vadd.f32 v3, v2;
	v3 =	vmul.f32 v7, v48  }
0x6d: {  	v54 =	vor.u32 $0x19, v1;
	v7 =	vld.idx.msk [tilespmem:v49+s12+$0x0], $0xffff  }
0x6e: {  	v55 =	vld.idx.msk [tilespmem:v51+s11+$0x0], $0xffff;
	v2 =	vadd.f32 v3, v2;
	v3 =	vmul.f32 v4, v50  }
0x6f: {  	v56 =	vor.u32 $0x1A, v1;
	v4 =	vld.idx.msk [tilespmem:v51+s12+$0x0], $0xffff  }
0x70: {  	v57 =	vld.idx.msk [tilespmem:v6+s11+$0x0], $0xffff;
	v2 =	vadd.f32 v3, v2;
	v3 =	vmul.f32 v5, v52  }
0x71: {  	v5 =	vld.idx.msk [tilespmem:v6+s12+$0x0], $0xffff;
	v6 =	vor.u32 $0x1B, v1  }
0x72: {  	v58 =	vld.idx.msk [tilespmem:v54+s11+$0x0], $0xffff;
	v2 =	vadd.f32 v3, v2;
	v3 =	vmul.f32 v7, v53  }
0x73: {  	v59 =	vor.u32 $0x1C, v1;
	v7 =	vld.idx.msk [tilespmem:v54+s12+$0x0], $0xffff  }
0x74: {  	v60 =	vld.idx.msk [tilespmem:v56+s11+$0x0], $0xffff;
	v2 =	vadd.f32 v3, v2;
	v3 =	vmul.f32 v4, v55  }
0x75: {  	v61 =	vor.u32 $0x1D, v1;
	v4 =	vld.idx.msk [tilespmem:v56+s12+$0x0], $0xffff  }
0x76: {  	v62 =	vld.idx.msk [tilespmem:v6+s11+$0x0], $0xffff;
	v2 =	vadd.f32 v3, v2;
	v3 =	vmul.f32 v5, v57  }
0x77: {  	v5 =	vld.idx.msk [tilespmem:v6+s12+$0x0], $0xffff;
	v6 =	vor.u32 $0x1E, v1  }
0x78: {  	v63 =	vld.idx.msk [tilespmem:v59+s11+$0x0], $0xffff;
	v2 =	vadd.f32 v3, v2;
	v3 =	vmul.f32 v7, v58  }
0x79: {  	v1 =	vor.u32 $0x1F, v1;
	v7 =	vld.idx.msk [tilespmem:v59+s12+$0x0], $0xffff  }
0x7a: {  	v15 =	vld.idx.msk [tilespmem:v61+s11+$0x0], $0xffff;
	v2 =	vadd.f32 v3, v2;
	v3 =	vmul.f32 v4, v60  }
0x7b: {  	v4 =	vld.idx.msk [tilespmem:v61+s12+$0x0], $0xffff  }
0x7c: {  	v16 =	vld.idx.msk [tilespmem:v6+s11+$0x0], $0xffff;
	v2 =	vadd.f32 v3, v2;
	v3 =	vmul.f32 v5, v62  }
0x7d: {  	v5 =	vld.idx.msk [tilespmem:v6+s12+$0x0], $0xffff  }
0x7e: {  	v6 =	vld.idx.msk [tilespmem:v1+s11+$0x0], $0xffff;
	v2 =	vadd.f32 v3, v2;
	v3 =	vmul.f32 v7, v63  }
0x7f: {  	v7 =	vld.idx.msk [tilespmem:v1+s12+$0x0], $0xffff  }
0x80: {  	v1 =	vadd.f32 v3, v2;
	v2 =	vmul.f32 v4, v15  }
0x81: {  	s28 =	simm.s32 $0x10  }
0x82: {  	v3 =	vmov s28;
	v4 =	vmul.f32 v5, v16;
	v2 =	vadd.f32 v2, v1  }
0x83: {  	v1 =	vshll.u32 v3, $0x5  }
0x84: {  	v1 =	vor.u32 v0, v1;
	v3 =	vmul.f32 v7, v6;
	v2 =	vadd.f32 v4, v2;
	_ =	sdelay $0x1  }
0x85: {  	v4 =	vor.u32 $0x1, v1;
	v2 =	vadd.f32 v3, v2;
	_ =	sdelay $0x1  }
0x86: {  	v3 =	vor.u32 $0x2, v1;
	[tilespmem:s25+$0x0] =	vst v2  }
0x87: {  	v2 =	vld.idx.msk [tilespmem:v1+s12+$0x0], $0xffff  }
0x88: {  	v6 =	vor.u32 $0x3, v1;
	v5 =	vld.idx.msk [tilespmem:v1+s11+$0x0], $0xffff  }
0x89: {  	v7 =	vld.idx.msk [tilespmem:v4+s11+$0x0], $0xffff  }
0x8a: {  	v17 =	vor.u32 $0x4, v1;
	v4 =	vld.idx.msk [tilespmem:v4+s12+$0x0], $0xffff  }
0x8b: {  	v18 =	vld.idx.msk [tilespmem:v3+s11+$0x0], $0xffff  }
0x8c: {  	v19 =	vor.u32 $0x5, v1;
	v3 =	vld.idx.msk [tilespmem:v3+s12+$0x0], $0xffff  }
0x8d: {  	v20 =	vld.idx.msk [tilespmem:v6+s11+$0x0], $0xffff;
	v2 =	vmul.f32 v2, v5  }
0x8e: {  	v5 =	vld.idx.msk [tilespmem:v6+s12+$0x0], $0xffff;
	v6 =	vor.u32 $0x6, v1  }
0x8f: {  	v21 =	vld.idx.msk [tilespmem:v17+s11+$0x0], $0xffff;
	v4 =	vmul.f32 v4, v7;
	v2 =	vadd.f32 $0.0e+00, v2  }
0x90: {  	v22 =	vor.u32 $0x7, v1;
	v7 =	vld.idx.msk [tilespmem:v17+s12+$0x0], $0xffff  }
0x91: {  	v23 =	vld.idx.msk [tilespmem:v19+s11+$0x0], $0xffff;
	v3 =	vmul.f32 v3, v18;
	v2 =	vadd.f32 v4, v2  }
0x92: {  	v24 =	vor.u32 $0x8, v1;
	v4 =	vld.idx.msk [tilespmem:v19+s12+$0x0], $0xffff  }
0x93: {  	v25 =	vld.idx.msk [tilespmem:v6+s11+$0x0], $0xffff;
	v2 =	vadd.f32 v3, v2;
	v3 =	vmul.f32 v5, v20  }
0x94: {  	v5 =	vld.idx.msk [tilespmem:v6+s12+$0x0], $0xffff;
	v6 =	vor.u32 $0x9, v1  }
0x95: {  	v26 =	vld.idx.msk [tilespmem:v22+s11+$0x0], $0xffff;
	v2 =	vadd.f32 v3, v2;
	v3 =	vmul.f32 v7, v21  }
0x96: {  	v27 =	vor.u32 $0xA, v1;
	v7 =	vld.idx.msk [tilespmem:v22+s12+$0x0], $0xffff  }
0x97: {  	v28 =	vld.idx.msk [tilespmem:v24+s11+$0x0], $0xffff;
	v2 =	vadd.f32 v3, v2;
	v3 =	vmul.f32 v4, v23  }
0x98: {  	v29 =	vor.u32 $0xB, v1;
	v4 =	vld.idx.msk [tilespmem:v24+s12+$0x0], $0xffff  }
0x99: {  	v30 =	vld.idx.msk [tilespmem:v6+s11+$0x0], $0xffff;
	v2 =	vadd.f32 v3, v2;
	v3 =	vmul.f32 v5, v25  }
0x9a: {  	v5 =	vld.idx.msk [tilespmem:v6+s12+$0x0], $0xffff;
	v6 =	vor.u32 $0xC, v1  }
0x9b: {  	v31 =	vld.idx.msk [tilespmem:v27+s11+$0x0], $0xffff;
	v2 =	vadd.f32 v3, v2;
	v3 =	vmul.f32 v7, v26  }
0x9c: {  	v32 =	vor.u32 $0xD, v1;
	v7 =	vld.idx.msk [tilespmem:v27+s12+$0x0], $0xffff  }
0x9d: {  	v33 =	vld.idx.msk [tilespmem:v29+s11+$0x0], $0xffff;
	v2 =	vadd.f32 v3, v2;
	v3 =	vmul.f32 v4, v28  }
0x9e: {  	v34 =	vor.u32 $0xE, v1;
	v4 =	vld.idx.msk [tilespmem:v29+s12+$0x0], $0xffff  }
0x9f: {  	v35 =	vld.idx.msk [tilespmem:v6+s11+$0x0], $0xffff;
	v2 =	vadd.f32 v3, v2;
	v3 =	vmul.f32 v5, v30  }
0xa0: {  	v5 =	vld.idx.msk [tilespmem:v6+s12+$0x0], $0xffff;
	v6 =	vor.u32 $0xF, v1  }
0xa1: {  	v36 =	vld.idx.msk [tilespmem:v32+s11+$0x0], $0xffff;
	v2 =	vadd.f32 v3, v2;
	v3 =	vmul.f32 v7, v31  }
0xa2: {  	v37 =	vor.u32 $0x10, v1;
	v7 =	vld.idx.msk [tilespmem:v32+s12+$0x0], $0xffff  }
0xa3: {  	v38 =	vld.idx.msk [tilespmem:v34+s11+$0x0], $0xffff;
	v2 =	vadd.f32 v3, v2;
	v3 =	vmul.f32 v4, v33  }
0xa4: {  	v39 =	vor.u32 $0x11, v1;
	v4 =	vld.idx.msk [tilespmem:v34+s12+$0x0], $0xffff  }
0xa5: {  	v40 =	vld.idx.msk [tilespmem:v6+s11+$0x0], $0xffff;
	v2 =	vadd.f32 v3, v2;
	v3 =	vmul.f32 v5, v35  }
0xa6: {  	v5 =	vld.idx.msk [tilespmem:v6+s12+$0x0], $0xffff;
	v6 =	vor.u32 $0x12, v1  }
0xa7: {  	v41 =	vld.idx.msk [tilespmem:v37+s11+$0x0], $0xffff;
	v2 =	vadd.f32 v3, v2;
	v3 =	vmul.f32 v7, v36  }
0xa8: {  	v42 =	vor.u32 $0x13, v1;
	v7 =	vld.idx.msk [tilespmem:v37+s12+$0x0], $0xffff  }
0xa9: {  	v43 =	vld.idx.msk [tilespmem:v39+s11+$0x0], $0xffff;
	v2 =	vadd.f32 v3, v2;
	v3 =	vmul.f32 v4, v38  }
0xaa: {  	v44 =	vor.u32 $0x14, v1;
	v4 =	vld.idx.msk [tilespmem:v39+s12+$0x0], $0xffff  }
0xab: {  	v45 =	vld.idx.msk [tilespmem:v6+s11+$0x0], $0xffff;
	v2 =	vadd.f32 v3, v2;
	v3 =	vmul.f32 v5, v40  }
0xac: {  	v5 =	vld.idx.msk [tilespmem:v6+s12+$0x0], $0xffff;
	v6 =	vor.u32 $0x15, v1  }
0xad: {  	v46 =	vld.idx.msk [tilespmem:v42+s11+$0x0], $0xffff;
	v2 =	vadd.f32 v3, v2;
	v3 =	vmul.f32 v7, v41  }
0xae: {  	v47 =	vor.u32 $0x16, v1;
	v7 =	vld.idx.msk [tilespmem:v42+s12+$0x0], $0xffff  }
0xaf: {  	v48 =	vld.idx.msk [tilespmem:v44+s11+$0x0], $0xffff;
	v2 =	vadd.f32 v3, v2;
	v3 =	vmul.f32 v4, v43  }
0xb0: {  	v49 =	vor.u32 $0x17, v1;
	v4 =	vld.idx.msk [tilespmem:v44+s12+$0x0], $0xffff  }
0xb1: {  	v50 =	vld.idx.msk [tilespmem:v6+s11+$0x0], $0xffff;
	v2 =	vadd.f32 v3, v2;
	v3 =	vmul.f32 v5, v45  }
0xb2: {  	v5 =	vld.idx.msk [tilespmem:v6+s12+$0x0], $0xffff;
	v6 =	vor.u32 $0x18, v1  }
0xb3: {  	v51 =	vld.idx.msk [tilespmem:v47+s11+$0x0], $0xffff;
	v2 =	vadd.f32 v3, v2;
	v3 =	vmul.f32 v7, v46  }
0xb4: {  	v52 =	vor.u32 $0x19, v1;
	v7 =	vld.idx.msk [tilespmem:v47+s12+$0x0], $0xffff  }
0xb5: {  	v53 =	vld.idx.msk [tilespmem:v49+s11+$0x0], $0xffff;
	v2 =	vadd.f32 v3, v2;
	v3 =	vmul.f32 v4, v48  }
0xb6: {  	v54 =	vor.u32 $0x1A, v1;
	v4 =	vld.idx.msk [tilespmem:v49+s12+$0x0], $0xffff  }
0xb7: {  	v55 =	vld.idx.msk [tilespmem:v6+s11+$0x0], $0xffff;
	v2 =	vadd.f32 v3, v2;
	v3 =	vmul.f32 v5, v50  }
0xb8: {  	v5 =	vld.idx.msk [tilespmem:v6+s12+$0x0], $0xffff;
	v6 =	vor.u32 $0x1B, v1  }
0xb9: {  	v56 =	vld.idx.msk [tilespmem:v52+s11+$0x0], $0xffff;
	v2 =	vadd.f32 v3, v2;
	v3 =	vmul.f32 v7, v51  }
0xba: {  	v57 =	vor.u32 $0x1C, v1;
	v7 =	vld.idx.msk [tilespmem:v52+s12+$0x0], $0xffff  }
0xbb: {  	v58 =	vld.idx.msk [tilespmem:v54+s11+$0x0], $0xffff;
	v2 =	vadd.f32 v3, v2;
	v3 =	vmul.f32 v4, v53  }
0xbc: {  	v4 =	vld.idx.msk [tilespmem:v54+s12+$0x0], $0xffff  }
0xbd: {  	v60 =	vld.idx.msk [tilespmem:v6+s11+$0x0], $0xffff;
	v2 =	vadd.f32 v3, v2;
	v3 =	vmul.f32 v5, v55  }
0xbe: {  	v59 =	vor.u32 $0x1D, v1;
	v5 =	vld.idx.msk [tilespmem:v6+s12+$0x0], $0xffff  }
0xbf: {  	v61 =	vld.idx.msk [tilespmem:v57+s11+$0x0], $0xffff;
	v2 =	vadd.f32 v3, v2;
	v3 =	vmul.f32 v7, v56  }
0xc0: {  	v6 =	vor.u32 $0x1E, v1;
	v7 =	vld.idx.msk [tilespmem:v57+s12+$0x0], $0xffff  }
0xc1: {  	v2 =	vadd.f32 v3, v2;
	v3 =	vmul.f32 v4, v58  }
0xc2: {  	v1 =	vor.u32 $0x1F, v1  }
0xc3: {  	v62 =	vld.idx.msk [tilespmem:v59+s11+$0x0], $0xffff;
	v2 =	vadd.f32 v3, v2;
	v3 =	vmul.f32 v5, v60  }
0xc4: {  	v4 =	vld.idx.msk [tilespmem:v59+s12+$0x0], $0xffff  }
0xc5: {  	v63 =	vld.idx.msk [tilespmem:v6+s11+$0x0], $0xffff;
	v2 =	vadd.f32 v3, v2;
	v3 =	vmul.f32 v7, v61  }
0xc6: {  	v5 =	vld.idx.msk [tilespmem:v6+s12+$0x0], $0xffff  }
0xc7: {  	v6 =	vadd.f32 v3, v2;
	v2 =	vld.idx.msk [tilespmem:v1+s11+$0x0], $0xffff  }
0xc8: {  	v3 =	vld.idx.msk [tilespmem:v1+s12+$0x0], $0xffff  }
0xc9: {  	v4 =	vmul.f32 v4, v62  }
0xca: {  	s28 =	simm.s32 $0x20  }
0xcb: {  	v7 =	vmov s28;
	v5 =	vmul.f32 v5, v63;
	v4 =	vadd.f32 v4, v6  }
0xcc: {  	s29 =	simm.s32 $0x30;
	s28 =	simm.s32 $0x8400;
	v1 =	vshll.u32 v7, $0x5  }
.LBB2_2:
0xcd: {  	p0 =	sne.s32 s29, $0x1F0;
	v1 =	vor.u32 v0, v1;
	v4 =	vadd.f32 v5, v4;
	v2 =	vmul.f32 v3, v2;
	_ =	sdelay $0x1  }
0xce: {  	v3 =	vor.u32 $0x1, v1;
	v2 =	vadd.f32 v2, v4  }
0xcf: {  	s28 =	sadd.s32 $0x10, s28  }
0xd0: {  	v4 =	vor.u32 $0x2, v1;
	[tilespmem:s28+$0x0] =	vst v2  }
0xd1: {  	v2 =	vld.idx.msk [tilespmem:v1+s12+$0x0], $0xffff  }
0xd2: {  	v6 =	vor.u32 $0x3, v1;
	v5 =	vld.idx.msk [tilespmem:v1+s11+$0x0], $0xffff  }
0xd3: {  	v7 =	vld.idx.msk [tilespmem:v3+s11+$0x0], $0xffff  }
0xd4: {  	v8 =	vor.u32 $0x4, v1;
	v3 =	vld.idx.msk [tilespmem:v3+s12+$0x0], $0xffff  }
0xd5: {  	v9 =	vld.idx.msk [tilespmem:v4+s11+$0x0], $0xffff  }
0xd6: {  	v10 =	vor.u32 $0x5, v1;
	v4 =	vld.idx.msk [tilespmem:v4+s12+$0x0], $0xffff  }
0xd7: {  	v11 =	vld.idx.msk [tilespmem:v6+s11+$0x0], $0xffff  }
0xd8: {  	v2 =	vmul.f32 v2, v5;
	v5 =	vld.idx.msk [tilespmem:v6+s12+$0x0], $0xffff;
	v6 =	vor.u32 $0x6, v1  }
0xd9: {  	v12 =	vld.idx.msk [tilespmem:v8+s11+$0x0], $0xffff  }
0xda: {  	v2 =	vadd.f32 $0.0e+00, v2;
	v3 =	vmul.f32 v3, v7;
	v7 =	vld.idx.msk [tilespmem:v8+s12+$0x0], $0xffff;
	v8 =	vor.u32 $0x7, v1  }
0xdb: {  	v13 =	vld.idx.msk [tilespmem:v10+s11+$0x0], $0xffff  }
0xdc: {  	v2 =	vadd.f32 v3, v2;
	v3 =	vmul.f32 v4, v9;
	v9 =	vor.u32 $0x8, v1;
	v4 =	vld.idx.msk [tilespmem:v10+s12+$0x0], $0xffff  }
0xdd: {  	v10 =	vld.idx.msk [tilespmem:v6+s11+$0x0], $0xffff  }
0xde: {  	v2 =	vadd.f32 v3, v2;
	v3 =	vmul.f32 v5, v11;
	v5 =	vld.idx.msk [tilespmem:v6+s12+$0x0], $0xffff;
	v6 =	vor.u32 $0x9, v1  }
0xdf: {  	v11 =	vld.idx.msk [tilespmem:v8+s11+$0x0], $0xffff  }
0xe0: {  	v2 =	vadd.f32 v3, v2;
	v3 =	vmul.f32 v7, v12;
	v7 =	vld.idx.msk [tilespmem:v8+s12+$0x0], $0xffff;
	v8 =	vor.u32 $0xA, v1  }
0xe1: {  	v12 =	vld.idx.msk [tilespmem:v9+s11+$0x0], $0xffff  }
0xe2: {  	v2 =	vadd.f32 v3, v2;
	v3 =	vmul.f32 v4, v13;
	v4 =	vld.idx.msk [tilespmem:v9+s12+$0x0], $0xffff;
	v9 =	vor.u32 $0xB, v1  }
0xe3: {  	v13 =	vld.idx.msk [tilespmem:v6+s11+$0x0], $0xffff  }
0xe4: {  	v2 =	vadd.f32 v3, v2;
	v3 =	vmul.f32 v5, v10;
	v5 =	vld.idx.msk [tilespmem:v6+s12+$0x0], $0xffff;
	v6 =	vor.u32 $0xC, v1  }
0xe5: {  	v10 =	vld.idx.msk [tilespmem:v8+s11+$0x0], $0xffff  }
0xe6: {  	v2 =	vadd.f32 v3, v2;
	v3 =	vmul.f32 v7, v11;
	v7 =	vld.idx.msk [tilespmem:v8+s12+$0x0], $0xffff;
	v8 =	vor.u32 $0xD, v1  }
0xe7: {  	v11 =	vld.idx.msk [tilespmem:v9+s11+$0x0], $0xffff  }
0xe8: {  	v2 =	vadd.f32 v3, v2;
	v3 =	vmul.f32 v4, v12;
	v4 =	vld.idx.msk [tilespmem:v9+s12+$0x0], $0xffff;
	v9 =	vor.u32 $0xE, v1  }
0xe9: {  	v12 =	vld.idx.msk [tilespmem:v6+s11+$0x0], $0xffff  }
0xea: {  	v2 =	vadd.f32 v3, v2;
	v3 =	vmul.f32 v5, v13;
	v5 =	vld.idx.msk [tilespmem:v6+s12+$0x0], $0xffff;
	v6 =	vor.u32 $0xF, v1  }
0xeb: {  	v13 =	vld.idx.msk [tilespmem:v8+s11+$0x0], $0xffff  }
0xec: {  	v2 =	vadd.f32 v3, v2;
	v3 =	vmul.f32 v7, v10;
	v7 =	vld.idx.msk [tilespmem:v8+s12+$0x0], $0xffff;
	v8 =	vor.u32 $0x10, v1  }
0xed: {  	v10 =	vld.idx.msk [tilespmem:v9+s11+$0x0], $0xffff  }
0xee: {  	v2 =	vadd.f32 v3, v2;
	v3 =	vmul.f32 v4, v11;
	v4 =	vld.idx.msk [tilespmem:v9+s12+$0x0], $0xffff;
	v9 =	vor.u32 $0x11, v1  }
0xef: {  	v11 =	vld.idx.msk [tilespmem:v6+s11+$0x0], $0xffff  }
0xf0: {  	v2 =	vadd.f32 v3, v2;
	v3 =	vmul.f32 v5, v12;
	v5 =	vld.idx.msk [tilespmem:v6+s12+$0x0], $0xffff;
	v6 =	vor.u32 $0x12, v1  }
0xf1: {  	v12 =	vld.idx.msk [tilespmem:v8+s11+$0x0], $0xffff  }
0xf2: {  	v2 =	vadd.f32 v3, v2;
	v3 =	vmul.f32 v7, v13;
	v7 =	vld.idx.msk [tilespmem:v8+s12+$0x0], $0xffff;
	v8 =	vor.u32 $0x13, v1  }
0xf3: {  	v13 =	vld.idx.msk [tilespmem:v9+s11+$0x0], $0xffff  }
0xf4: {  	v2 =	vadd.f32 v3, v2;
	v3 =	vmul.f32 v4, v10;
	v4 =	vld.idx.msk [tilespmem:v9+s12+$0x0], $0xffff;
	v9 =	vor.u32 $0x14, v1  }
0xf5: {  	v10 =	vld.idx.msk [tilespmem:v6+s11+$0x0], $0xffff  }
0xf6: {  	v2 =	vadd.f32 v3, v2;
	v3 =	vmul.f32 v5, v11;
	v5 =	vld.idx.msk [tilespmem:v6+s12+$0x0], $0xffff;
	v6 =	vor.u32 $0x15, v1  }
0xf7: {  	v11 =	vld.idx.msk [tilespmem:v8+s11+$0x0], $0xffff  }
0xf8: {  	v2 =	vadd.f32 v3, v2;
	v3 =	vmul.f32 v7, v12;
	v7 =	vld.idx.msk [tilespmem:v8+s12+$0x0], $0xffff;
	v8 =	vor.u32 $0x16, v1  }
0xf9: {  	v12 =	vld.idx.msk [tilespmem:v9+s11+$0x0], $0xffff  }
0xfa: {  	v2 =	vadd.f32 v3, v2;
	v3 =	vmul.f32 v4, v13;
	v4 =	vld.idx.msk [tilespmem:v9+s12+$0x0], $0xffff;
	v9 =	vor.u32 $0x17, v1  }
0xfb: {  	v13 =	vld.idx.msk [tilespmem:v6+s11+$0x0], $0xffff  }
0xfc: {  	v2 =	vadd.f32 v3, v2;
	v3 =	vmul.f32 v5, v10;
	v5 =	vld.idx.msk [tilespmem:v6+s12+$0x0], $0xffff;
	v6 =	vor.u32 $0x18, v1  }
0xfd: {  	v10 =	vld.idx.msk [tilespmem:v8+s11+$0x0], $0xffff  }
0xfe: {  	v2 =	vadd.f32 v3, v2;
	v3 =	vmul.f32 v7, v11;
	v7 =	vld.idx.msk [tilespmem:v8+s12+$0x0], $0xffff;
	v8 =	vor.u32 $0x19, v1  }
0xff: {  	v11 =	vld.idx.msk [tilespmem:v9+s11+$0x0], $0xffff  }
0x100: {  	v2 =	vadd.f32 v3, v2;
	v3 =	vmul.f32 v4, v12;
	v4 =	vld.idx.msk [tilespmem:v9+s12+$0x0], $0xffff;
	v9 =	vor.u32 $0x1A, v1  }
0x101: {  	v12 =	vld.idx.msk [tilespmem:v6+s11+$0x0], $0xffff  }
0x102: {  	v2 =	vadd.f32 v3, v2;
	v3 =	vmul.f32 v5, v13;
	v5 =	vld.idx.msk [tilespmem:v6+s12+$0x0], $0xffff;
	v6 =	vor.u32 $0x1B, v1  }
0x103: {  	v13 =	vld.idx.msk [tilespmem:v8+s11+$0x0], $0xffff  }
0x104: {  	v2 =	vadd.f32 v3, v2;
	v3 =	vmul.f32 v7, v10;
	v7 =	vld.idx.msk [tilespmem:v8+s12+$0x0], $0xffff;
	v8 =	vor.u32 $0x1C, v1  }
0x105: {  	v10 =	vld.idx.msk [tilespmem:v9+s11+$0x0], $0xffff  }
0x106: {  	v2 =	vadd.f32 v3, v2;
	v3 =	vmul.f32 v4, v11;
	v4 =	vld.idx.msk [tilespmem:v9+s12+$0x0], $0xffff;
	v9 =	vor.u32 $0x1D, v1  }
0x107: {  	v11 =	vld.idx.msk [tilespmem:v6+s11+$0x0], $0xffff  }
0x108: {  	v2 =	vadd.f32 v3, v2;
	v3 =	vmul.f32 v5, v12;
	v5 =	vld.idx.msk [tilespmem:v6+s12+$0x0], $0xffff;
	v6 =	vor.u32 $0x1E, v1  }
0x109: {  	v12 =	vld.idx.msk [tilespmem:v8+s11+$0x0], $0xffff  }
0x10a: {  	v1 =	vor.u32 $0x1F, v1;
	v2 =	vadd.f32 v3, v2;
	v3 =	vmul.f32 v7, v13;
	v7 =	vld.idx.msk [tilespmem:v8+s12+$0x0], $0xffff  }
0x10b: {  	v8 =	vld.idx.msk [tilespmem:v9+s11+$0x0], $0xffff  }
0x10c: {  	v2 =	vadd.f32 v3, v2;
	v3 =	vmul.f32 v4, v10;
	v4 =	vld.idx.msk [tilespmem:v9+s12+$0x0], $0xffff  }
0x10d: {  	v9 =	vld.idx.msk [tilespmem:v6+s11+$0x0], $0xffff  }
0x10e: {  	v3 =	vadd.f32 v3, v2;
	v5 =	vmul.f32 v5, v11;
	v6 =	vld.idx.msk [tilespmem:v6+s12+$0x0], $0xffff  }
0x10f: {  	v2 =	vld.idx.msk [tilespmem:v1+s11+$0x0], $0xffff  }
0x110: {  	v5 =	vadd.f32 v5, v3;
	v7 =	vmul.f32 v7, v12;
	v3 =	vld.idx.msk [tilespmem:v1+s12+$0x0], $0xffff  }
.Ltmp0:
0x111: {  	(pc) =	sbr.rel @p0 .LBB2_2-.Ltmp0, $3  }
0x112: {  	v1 =	vadd.f32 v7, v5;
	v4 =	vmul.f32 v4, v8;
	_ =	sdelay $0x1  }
0x113: {  	v7 =	vmov s29;
	v4 =	vadd.f32 v4, v1;
	v5 =	vmul.f32 v6, v9  }
0x114: {  	s29 =	sadd.s32 $0x10, s29;
	v1 =	vshll.u32 v7, $0x5  }
0x115: {  	v1 =	vor.u32 v0, v1;
	v4 =	vadd.f32 v5, v4;
	v2 =	vmul.f32 v3, v2;
	_ =	sdelay $0x1  }
0x116: {  	v3 =	vor.u32 $0x1, v1;
	v2 =	vadd.f32 v2, v4  }
0x117: {  	s28 =	sadd.s32 $0x10, s28  }
0x118: {  	v31 =	vor.u32 $0x2, v1;
	[tilespmem:s28+$0x0] =	vst v2  }
0x119: {  	v2 =	vld.idx.msk [tilespmem:v1+s12+$0x0], $0xffff  }
0x11a: {  	v6 =	vor.u32 $0x3, v1;
	v32 =	vld.idx.msk [tilespmem:v1+s11+$0x0], $0xffff  }
0x11b: {  	v7 =	vld.idx.msk [tilespmem:v3+s11+$0x0], $0xffff  }
0x11c: {  	v8 =	vor.u32 $0x4, v1;
	v3 =	vld.idx.msk [tilespmem:v3+s12+$0x0], $0xffff  }
0x11d: {  	v9 =	vld.idx.msk [tilespmem:v31+s11+$0x0], $0xffff  }
0x11e: {  	v10 =	vor.u32 $0x5, v1;
	v4 =	vld.idx.msk [tilespmem:v31+s12+$0x0], $0xffff  }
0x11f: {  	v11 =	vld.idx.msk [tilespmem:v6+s11+$0x0], $0xffff;
	v2 =	vmul.f32 v2, v32  }
0x120: {  	v34 =	vor.u32 $0x6, v1;
	v33 =	vld.idx.msk [tilespmem:v6+s12+$0x0], $0xffff  }
0x121: {  	v12 =	vld.idx.msk [tilespmem:v8+s11+$0x0], $0xffff;
	v3 =	vmul.f32 v3, v7;
	v2 =	vadd.f32 $0.0e+00, v2  }
0x122: {  	v36 =	vor.u32 $0x7, v1;
	v35 =	vld.idx.msk [tilespmem:v8+s12+$0x0], $0xffff  }
0x123: {  	v13 =	vld.idx.msk [tilespmem:v10+s11+$0x0], $0xffff;
	v2 =	vadd.f32 v3, v2;
	v3 =	vmul.f32 v4, v9  }
0x124: {  	v38 =	vor.u32 $0x8, v1;
	v37 =	vld.idx.msk [tilespmem:v10+s12+$0x0], $0xffff  }
0x125: {  	v39 =	vld.idx.msk [tilespmem:v34+s11+$0x0], $0xffff;
	v2 =	vadd.f32 v3, v2;
	v3 =	vmul.f32 v33, v11  }
0x126: {  	v41 =	vor.u32 $0x9, v1;
	v40 =	vld.idx.msk [tilespmem:v34+s12+$0x0], $0xffff  }
0x127: {  	v42 =	vld.idx.msk [tilespmem:v36+s11+$0x0], $0xffff;
	v2 =	vadd.f32 v3, v2;
	v3 =	vmul.f32 v35, v12  }
0x128: {  	v44 =	vor.u32 $0xA, v1;
	v43 =	vld.idx.msk [tilespmem:v36+s12+$0x0], $0xffff  }
0x129: {  	v45 =	vld.idx.msk [tilespmem:v38+s11+$0x0], $0xffff;
	v2 =	vadd.f32 v3, v2;
	v3 =	vmul.f32 v37, v13  }
0x12a: {  	v47 =	vor.u32 $0xB, v1;
	v46 =	vld.idx.msk [tilespmem:v38+s12+$0x0], $0xffff  }
0x12b: {  	v48 =	vld.idx.msk [tilespmem:v41+s11+$0x0], $0xffff;
	v2 =	vadd.f32 v3, v2;
	v3 =	vmul.f32 v40, v39  }
0x12c: {  	v50 =	vor.u32 $0xC, v1;
	v49 =	vld.idx.msk [tilespmem:v41+s12+$0x0], $0xffff  }
0x12d: {  	v51 =	vld.idx.msk [tilespmem:v44+s11+$0x0], $0xffff;
	v2 =	vadd.f32 v3, v2;
	v3 =	vmul.f32 v43, v42  }
0x12e: {  	v53 =	vor.u32 $0xD, v1;
	v52 =	vld.idx.msk [tilespmem:v44+s12+$0x0], $0xffff  }
0x12f: {  	v54 =	vld.idx.msk [tilespmem:v47+s11+$0x0], $0xffff;
	v2 =	vadd.f32 v3, v2;
	v3 =	vmul.f32 v46, v45  }
0x130: {  	v56 =	vor.u32 $0xE, v1;
	v55 =	vld.idx.msk [tilespmem:v47+s12+$0x0], $0xffff  }
0x131: {  	v57 =	vld.idx.msk [tilespmem:v50+s11+$0x0], $0xffff;
	v2 =	vadd.f32 v3, v2;
	v3 =	vmul.f32 v49, v48  }
0x132: {  	v59 =	vor.u32 $0xF, v1;
	v58 =	vld.idx.msk [tilespmem:v50+s12+$0x0], $0xffff  }
0x133: {  	v60 =	vld.idx.msk [tilespmem:v53+s11+$0x0], $0xffff;
	v2 =	vadd.f32 v3, v2;
	v3 =	vmul.f32 v52, v51  }
0x134: {  	v62 =	vor.u32 $0x10, v1;
	v61 =	vld.idx.msk [tilespmem:v53+s12+$0x0], $0xffff  }
0x135: {  	v63 =	vld.idx.msk [tilespmem:v56+s11+$0x0], $0xffff;
	v2 =	vadd.f32 v3, v2;
	v3 =	vmul.f32 v55, v54  }
0x136: {  	v17 =	vor.u32 $0x11, v1;
	v16 =	vld.idx.msk [tilespmem:v56+s12+$0x0], $0xffff  }
0x137: {  	v18 =	vld.idx.msk [tilespmem:v59+s11+$0x0], $0xffff;
	v2 =	vadd.f32 v3, v2;
	v3 =	vmul.f32 v58, v57  }
0x138: {  	v20 =	vor.u32 $0x12, v1;
	v19 =	vld.idx.msk [tilespmem:v59+s12+$0x0], $0xffff  }
0x139: {  	v21 =	vld.idx.msk [tilespmem:v62+s11+$0x0], $0xffff;
	v2 =	vadd.f32 v3, v2;
	v3 =	vmul.f32 v61, v60  }
0x13a: {  	v23 =	vor.u32 $0x13, v1;
	v22 =	vld.idx.msk [tilespmem:v62+s12+$0x0], $0xffff  }
0x13b: {  	v24 =	vld.idx.msk [tilespmem:v17+s11+$0x0], $0xffff;
	v2 =	vadd.f32 v3, v2;
	v3 =	vmul.f32 v16, v63  }
0x13c: {  	v26 =	vor.u32 $0x14, v1;
	v25 =	vld.idx.msk [tilespmem:v17+s12+$0x0], $0xffff  }
0x13d: {  	v27 =	vld.idx.msk [tilespmem:v20+s11+$0x0], $0xffff;
	v2 =	vadd.f32 v3, v2;
	v3 =	vmul.f32 v19, v18  }
0x13e: {  	v29 =	vor.u32 $0x15, v1;
	v28 =	vld.idx.msk [tilespmem:v20+s12+$0x0], $0xffff  }
0x13f: {  	v30 =	vld.idx.msk [tilespmem:v23+s11+$0x0], $0xffff;
	v2 =	vadd.f32 v3, v2;
	v3 =	vmul.f32 v22, v21  }
0x140: {  	v31 =	vld.idx.msk [tilespmem:v23+s12+$0x0], $0xffff;
	v32 =	vor.u32 $0x16, v1  }
0x141: {  	v34 =	vld.idx.msk [tilespmem:v26+s12+$0x0], $0xffff;
	v2 =	vadd.f32 v3, v2;
	v3 =	vmul.f32 v25, v24  }
0x142: {  	v33 =	vld.idx.msk [tilespmem:v26+s11+$0x0], $0xffff;
	v35 =	vor.u32 $0x17, v1  }
0x143: {  	v36 =	vld.idx.msk [tilespmem:v29+s11+$0x0], $0xffff;
	v2 =	vadd.f32 v3, v2;
	v3 =	vmul.f32 v28, v27  }
0x144: {  	v38 =	vor.u32 $0x18, v1;
	v37 =	vld.idx.msk [tilespmem:v29+s12+$0x0], $0xffff  }
0x145: {  	v39 =	vld.idx.msk [tilespmem:v32+s11+$0x0], $0xffff;
	v2 =	vadd.f32 v3, v2;
	v3 =	vmul.f32 v31, v30  }
0x146: {  	v41 =	vor.u32 $0x19, v1;
	v40 =	vld.idx.msk [tilespmem:v32+s12+$0x0], $0xffff  }
0x147: {  	v42 =	vld.idx.msk [tilespmem:v35+s11+$0x0], $0xffff;
	v2 =	vadd.f32 v3, v2;
	v3 =	vmul.f32 v34, v33  }
0x148: {  	v44 =	vor.u32 $0x1A, v1;
	v43 =	vld.idx.msk [tilespmem:v35+s12+$0x0], $0xffff  }
0x149: {  	v45 =	vld.idx.msk [tilespmem:v38+s11+$0x0], $0xffff;
	v2 =	vadd.f32 v3, v2;
	v3 =	vmul.f32 v37, v36  }
0x14a: {  	v47 =	vor.u32 $0x1B, v1;
	v46 =	vld.idx.msk [tilespmem:v38+s12+$0x0], $0xffff  }
0x14b: {  	v48 =	vld.idx.msk [tilespmem:v41+s11+$0x0], $0xffff;
	v2 =	vadd.f32 v3, v2;
	v3 =	vmul.f32 v40, v39  }
0x14c: {  	v50 =	vor.u32 $0x1C, v1;
	v49 =	vld.idx.msk [tilespmem:v41+s12+$0x0], $0xffff  }
0x14d: {  	v51 =	vld.idx.msk [tilespmem:v44+s11+$0x0], $0xffff;
	v2 =	vadd.f32 v3, v2;
	v3 =	vmul.f32 v43, v42  }
0x14e: {  	v53 =	vor.u32 $0x1D, v1;
	v52 =	vld.idx.msk [tilespmem:v44+s12+$0x0], $0xffff  }
0x14f: {  	v54 =	vld.idx.msk [tilespmem:v47+s11+$0x0], $0xffff;
	v2 =	vadd.f32 v3, v2;
	v3 =	vmul.f32 v46, v45  }
0x150: {  	v56 =	vor.u32 $0x1E, v1;
	v55 =	vld.idx.msk [tilespmem:v47+s12+$0x0], $0xffff  }
0x151: {  	v57 =	vld.idx.msk [tilespmem:v50+s11+$0x0], $0xffff;
	v2 =	vadd.f32 v3, v2;
	v3 =	vmul.f32 v49, v48  }
0x152: {  	v1 =	vor.u32 $0x1F, v1;
	v58 =	vld.idx.msk [tilespmem:v50+s12+$0x0], $0xffff  }
0x153: {  	v59 =	vld.idx.msk [tilespmem:v53+s11+$0x0], $0xffff;
	v2 =	vadd.f32 v3, v2;
	v3 =	vmul.f32 v52, v51  }
0x154: {  	v60 =	vld.idx.msk [tilespmem:v53+s12+$0x0], $0xffff  }
0x155: {  	v62 =	vld.idx.msk [tilespmem:v56+s12+$0x0], $0xffff;
	v2 =	vadd.f32 v3, v2;
	v3 =	vmul.f32 v55, v54  }
0x156: {  	v61 =	vld.idx.msk [tilespmem:v56+s11+$0x0], $0xffff  }
0x157: {  	v63 =	vld.idx.msk [tilespmem:v1+s11+$0x0], $0xffff;
	v2 =	vadd.f32 v3, v2;
	v3 =	vmul.f32 v58, v57  }
0x158: {  	v1 =	vld.idx.msk [tilespmem:v1+s12+$0x0], $0xffff  }
0x159: {  	v2 =	vadd.f32 v3, v2;
	v3 =	vmul.f32 v60, v59;
	_ =	sdelay $0x1  }
0x15a: {  	v2 =	vadd.f32 v3, v2;
	v3 =	vmul.f32 v62, v61;
	_ =	sdelay $0x1  }
0x15b: {  	v1 =	vmul.f32 v1, v63;
	v2 =	vadd.f32 v3, v2;
	_ =	sdelay $0x1  }
0x15c: {  	s26 =	sadd.s32 $0x1, s26;
	v1 =	vadd.f32 v1, v2  }
0x15d: {  	p0 =	sne.s32 s26, s7;
	s28 =	sadd.s32 $0x10, s28  }
.Ltmp1:
0x15e: {  	[tilespmem:s28+$0x0] =	vst v1;
	(pc) =	sbr.rel @p0 .LBB2_1-.Ltmp1, $4  }
0x15f: {  	[hbm4b:s6+s2] =	stream.linear.scatter [tilespmem:s25], [sflag:$0x2], $0x200, $0x38;
	[tilespmem:$0x8600] =	vst v63  }
0x160: {  	_ =	swait.ge [sflag:s8], $0x200  }
0x161: {  	[sflag:s8] =	ssyncset.done $0x0  }
0x162: {  	[sflag:s8] =	ssyncadd.s32 $0xFFFFFE00  }
0x163: {  	_ =	sfence.sel $0x180000  }
0x164: {  	[bflag:$0x0] =	sbarrier.arrive $0xFFFF  }
0x165: {  	p0 =	sne.s32 s1, $0x0;
	_ =	strace $0x90000047  }
0x166: {  	s0 =	sadd.s32 @!p0 $0x100000, s0;
	[bflag:$0x2] =	sbarrier.arrive $0xFFFF  }
0x167: {  	[sflag:s0] =	ssyncadd.tile.s32 @!p0 $0x1;
	_ =	shalt  }
.Lfunc_end2:
_tile_overlayer_lowered:
.L_overlay_start_2:
0x168: {  	(tag) =	ssettag $0x2  }
0x169: {  	s0 =	rddreg [dreg:$0x0];
	s2 =	stileid.u32  }
0x16a: {  	s1 =	rddreg [dreg:$0x1];
	p0 =	sne.s32 s2, $0x0  }
0x16b: {  	s3 =	rddreg [dreg:$0x2];
	[bflag:$0x3] =	sbarrier.arrive $0xFFFF;
	s2 =	simm.s32 @!p0 $0x1C02  }
0x16c: {  	[timem:s3], [sflag:s2] =	dma.local @!p0 [hbm:s0], s1  }
0x16d: {  	s0 =	simm.s32 @!p0 $0x2  }
0x16e: {  	_ =	swait.ge @!p0 [sflag:s0], s1  }
0x16f: {  	s1 =	ssub.s32 @!p0 $0x0, s1;
	[sflag:s0] =	ssyncset.done @!p0 $0x0  }
0x170: {  	[sflag:s0] =	ssyncadd.s32 @!p0 s1  }
0x171: {  	[bflag:$0x3] =	sbarrier.arrive $0xFFFF  }
0x172: {  	_ =	shalt  }

</sc_bundles>
